<compile_context>
chip_gen: v7x
topology: tpu7x:2x2x1
jax: 0.10.2.dev20260603
libtpu: 0.0.44.dev20260713+nightly
codegen_flags: <defaults>
</compile_context>

<pallas_src>
import functools

import jax
import jax.numpy as jnp
from jax import lax
from jax.experimental import pallas as pl
from jax.experimental.pallas import tpu as pltpu
from jax.experimental.pallas import tpu_sc as plsc

EMB_DIM = 256
BATCH = 16384
NUM_CORES = 2
NUM_SUBCORES = 16
NUM_WORKERS = NUM_CORES * NUM_SUBCORES
ROWS_PER_WORKER = BATCH // NUM_WORKERS
CHUNK = 64
N_CHUNKS = ROWS_PER_WORKER // CHUNK
NBUF = 7
PRIME = 4


def _gather_body(ids_hbm, table_hbm, out_hbm, idx_v, *rest):
    bufs = rest[:NBUF]
    gsems = rest[NBUF:2 * NBUF]
    wsems = rest[2 * NBUF:3 * NBUF]
    wid = lax.axis_index("c") * NUM_SUBCORES + lax.axis_index("s")
    base = wid * ROWS_PER_WORKER
    pltpu.sync_copy(ids_hbm.at[pl.ds(base, ROWS_PER_WORKER)], idx_v)

    def gather(c):
        b = c % NBUF
        return pltpu.async_copy(
            table_hbm.at[idx_v.at[pl.ds(c * CHUNK, CHUNK)]], bufs[b], gsems[b])

    def write(c):
        b = c % NBUF
        return pltpu.async_copy(
            bufs[b], out_hbm.at[pl.ds(base + c * CHUNK, CHUNK)], wsems[b])

    gathers = [None] * N_CHUNKS
    writes = [None] * N_CHUNKS
    for c in range(min(PRIME, N_CHUNKS)):
        gathers[c] = gather(c)
    for c in range(N_CHUNKS):
        g = c + PRIME
        if g < N_CHUNKS:
            if g - NBUF >= 0:
                writes[g - NBUF].wait()
            gathers[g] = gather(g)
        gathers[c].wait()
        writes[c] = write(c)
    for c in range(max(0, N_CHUNKS - NBUF), N_CHUNKS):
        writes[c].wait()


@functools.cache
def _gather_kernel():
    return functools.partial(
        pl.kernel,
        out_type=jax.ShapeDtypeStruct((BATCH, EMB_DIM), jnp.float32),
        mesh=plsc.VectorSubcoreMesh(core_axis_name="c", subcore_axis_name="s"),
        scratch_types=(
            [pltpu.VMEM((ROWS_PER_WORKER,), jnp.int32)]
            + [pltpu.VMEM((CHUNK, EMB_DIM), jnp.float32) for _ in range(NBUF)]
            + [pltpu.SemaphoreType.DMA for _ in range(2 * NBUF)]
        ),
    )(_gather_body)


def kernel(ids, token_emb):
    return _gather_kernel()(ids.astype(jnp.int32), token_emb)

# --- scband reference (transcript-rebuilt; emitter-appended) ---
"""Pipeline reference for scband-text-encoder-70463233458823 (READ-ONLY COPY).

The authoritative reference and input builder live on the scoring server;
editing this copy changes nothing except your own understanding.
"""

import jax, jax.numpy as jnp
import numpy as np

VOCAB = 10000
EMB_DIM = 256
BATCH = 16384

def setup_inputs(seed: int = 0) -> dict:
    key = jax.random.key(seed)
    k_ids, k_tab = jax.random.split(key)
    ids = jax.random.randint(k_ids, (BATCH,), 0, VOCAB, dtype=jnp.int64 if jax.config.jax_enable_x64 else jnp.int32)
    token_emb = jax.random.normal(k_tab, (VOCAB, EMB_DIM), dtype=jnp.float32)
    return {"ids": ids, "token_emb": token_emb}

def reference(ids, token_emb):
    # Faithful translation of TextEncoder.forward fallback path:
    # texts are hashed to integer ids in [0, 10000); here the hashed ids
    # are provided directly. project is nn.Identity, so the output is the
    # raw embedding lookup.
    out = jnp.take(token_emb, ids, axis=0)
    return out

if __name__ == "__main__":
    import jax
    _d = setup_inputs()
    print(jax.jit(kernel)(*tuple(_d.values())))

</pallas_src>

<mosaic_0001>
#map = affine_map<(d0, d1) -> (0)>
#map1 = affine_map<(d0, d1) -> (0, 0)>
module attributes {stable_mosaic.version = 14 : i64} {
  func.func @_gather_body(%arg0: i32, %arg1: i32, %arg2: memref<16384xi32, #tpu.memory_space<hbm>>, %arg3: memref<10000x256xf32, #tpu.memory_space<hbm>>, %arg4: memref<16384x256xf32, #tpu.memory_space<hbm>>, %arg5: memref<512xi32, #tpu.memory_space<vmem>>, %arg6: memref<64x256xf32, #tpu.memory_space<vmem>>, %arg7: memref<64x256xf32, #tpu.memory_space<vmem>>, %arg8: memref<64x256xf32, #tpu.memory_space<vmem>>, %arg9: memref<64x256xf32, #tpu.memory_space<vmem>>, %arg10: memref<64x256xf32, #tpu.memory_space<vmem>>, %arg11: memref<64x256xf32, #tpu.memory_space<vmem>>, %arg12: memref<64x256xf32, #tpu.memory_space<vmem>>, %arg13: memref<!tpu.dma_semaphore, #tpu.memory_space<semaphore_mem>>, %arg14: memref<!tpu.dma_semaphore, #tpu.memory_space<semaphore_mem>>, %arg15: memref<!tpu.dma_semaphore, #tpu.memory_space<semaphore_mem>>, %arg16: memref<!tpu.dma_semaphore, #tpu.memory_space<semaphore_mem>>, %arg17: memref<!tpu.dma_semaphore, #tpu.memory_space<semaphore_mem>>, %arg18: memref<!tpu.dma_semaphore, #tpu.memory_space<semaphore_mem>>, %arg19: memref<!tpu.dma_semaphore, #tpu.memory_space<semaphore_mem>>, %arg20: memref<!tpu.dma_semaphore, #tpu.memory_space<semaphore_mem>>, %arg21: memref<!tpu.dma_semaphore, #tpu.memory_space<semaphore_mem>>, %arg22: memref<!tpu.dma_semaphore, #tpu.memory_space<semaphore_mem>>, %arg23: memref<!tpu.dma_semaphore, #tpu.memory_space<semaphore_mem>>, %arg24: memref<!tpu.dma_semaphore, #tpu.memory_space<semaphore_mem>>, %arg25: memref<!tpu.dma_semaphore, #tpu.memory_space<semaphore_mem>>, %arg26: memref<!tpu.dma_semaphore, #tpu.memory_space<semaphore_mem>>) attributes {dimension_semantics = [#tpu.dimension_semantics<core_parallel>, #tpu.dimension_semantics<subcore_parallel>], iteration_bounds = array<i64: 2, 16>, scalar_prefetch = 0 : i64, scratch_operands = 22 : i64, tpu.core_type = #tpu.core_type<sc_vector_subcore>, window_params = [{transform_indices = #map}, {transform_indices = #map1}, {transform_indices = #map1}]} {
    %mul3A = arith.constant 16 : i32
    %mul3A_0 = arith.muli %arg0, %mul3A : i32
    %add3A = arith.addi %mul3A_0, %arg1 : i32
    %mul3A_1 = arith.constant 512 : i32
    %mul3A_2 = arith.muli %add3A, %mul3A_1 : i32
    "tpu.region"() ({
      %run_scoped3A = tpu.sem_alloc : memref<!tpu.dma_semaphore, #tpu.memory_space<semaphore_mem>>
      %dma_start3A_161 = tpu.memref_slice %arg2[%mul3A_2] : memref<16384xi32, #tpu.memory_space<hbm>> -> memref<512xi32, #tpu.memory_space<hbm>>
      %dma_start3A_162 = tpu.memref_slice %arg2[%mul3A_2] : memref<16384xi32, #tpu.memory_space<hbm>> -> memref<512xi32, #tpu.memory_space<hbm>>
      tpu.enqueue_dma source(%dma_start3A_162 : memref<512xi32, #tpu.memory_space<hbm>>) target(%arg5 : memref<512xi32, #tpu.memory_space<vmem>>) target_semaphore(%run_scoped3A : memref<!tpu.dma_semaphore, #tpu.memory_space<semaphore_mem>>)
      %dma_wait3A_163 = tpu.memref_slice %arg2[%mul3A_2] : memref<16384xi32, #tpu.memory_space<hbm>> -> memref<512xi32, #tpu.memory_space<hbm>>
      %dma_wait3A_164 = tpu.memref_slice %arg2[%mul3A_2] : memref<16384xi32, #tpu.memory_space<hbm>> -> memref<512xi32, #tpu.memory_space<hbm>>
      tpu.wait_dma2 semaphore(%run_scoped3A : memref<!tpu.dma_semaphore, #tpu.memory_space<semaphore_mem>>) src(%dma_wait3A_164 : memref<512xi32, #tpu.memory_space<hbm>>) dst(%arg5 : memref<512xi32, #tpu.memory_space<vmem>>)
      tpu.yield
    }) : () -> ()
    %dma_start3A = arith.constant 0 : i32
    %dma_start3A_3 = tpu.memref_slice %arg5[%dma_start3A] : memref<512xi32, #tpu.memory_space<vmem>> -> memref<64xi32, #tpu.memory_space<vmem>>
    %dma_start3A_4 = arith.constant 0 : i32
    %dma_start3A_5 = arith.constant 0 : i32
    %dma_start3A_6 = tpu.memref_slice %arg3[%dma_start3A_4, %dma_start3A_5] : memref<10000x256xf32, #tpu.memory_space<hbm>> -> memref<10000x256xf32, #tpu.memory_space<hbm>>
    tpu.enqueue_indirect_dma source(%dma_start3A_6 : memref<10000x256xf32, #tpu.memory_space<hbm>>) target(%arg6 : memref<64x256xf32, #tpu.memory_space<vmem>>) offsets(%dma_start3A_3 : memref<64xi32, #tpu.memory_space<vmem>>) semaphore(%arg13 : memref<!tpu.dma_semaphore, #tpu.memory_space<semaphore_mem>>)
    %dma_start3A_7 = arith.constant 64 : i32
    %dma_start3A_8 = tpu.memref_slice %arg5[%dma_start3A_7] : memref<512xi32, #tpu.memory_space<vmem>> -> memref<64xi32, #tpu.memory_space<vmem>>
    %dma_start3A_9 = arith.constant 0 : i32
    %dma_start3A_10 = arith.constant 0 : i32
    %dma_start3A_11 = tpu.memref_slice %arg3[%dma_start3A_9, %dma_start3A_10] : memref<10000x256xf32, #tpu.memory_space<hbm>> -> memref<10000x256xf32, #tpu.memory_space<hbm>>
    tpu.enqueue_indirect_dma source(%dma_start3A_11 : memref<10000x256xf32, #tpu.memory_space<hbm>>) target(%arg7 : memref<64x256xf32, #tpu.memory_space<vmem>>) offsets(%dma_start3A_8 : memref<64xi32, #tpu.memory_space<vmem>>) semaphore(%arg14 : memref<!tpu.dma_semaphore, #tpu.memory_space<semaphore_mem>>)
    %dma_start3A_12 = arith.constant 128 : i32
    %dma_start3A_13 = tpu.memref_slice %arg5[%dma_start3A_12] : memref<512xi32, #tpu.memory_space<vmem>> -> memref<64xi32, #tpu.memory_space<vmem>>
    %dma_start3A_14 = arith.constant 0 : i32
    %dma_start3A_15 = arith.constant 0 : i32
    %dma_start3A_16 = tpu.memref_slice %arg3[%dma_start3A_14, %dma_start3A_15] : memref<10000x256xf32, #tpu.memory_space<hbm>> -> memref<10000x256xf32, #tpu.memory_space<hbm>>
    tpu.enqueue_indirect_dma source(%dma_start3A_16 : memref<10000x256xf32, #tpu.memory_space<hbm>>) target(%arg8 : memref<64x256xf32, #tpu.memory_space<vmem>>) offsets(%dma_start3A_13 : memref<64xi32, #tpu.memory_space<vmem>>) semaphore(%arg15 : memref<!tpu.dma_semaphore, #tpu.memory_space<semaphore_mem>>)
    %dma_start3A_17 = arith.constant 192 : i32
    %dma_start3A_18 = tpu.memref_slice %arg5[%dma_start3A_17] : memref<512xi32, #tpu.memory_space<vmem>> -> memref<64xi32, #tpu.memory_space<vmem>>
    %dma_start3A_19 = arith.constant 0 : i32
    %dma_start3A_20 = arith.constant 0 : i32
    %dma_start3A_21 = tpu.memref_slice %arg3[%dma_start3A_19, %dma_start3A_20] : memref<10000x256xf32, #tpu.memory_space<hbm>> -> memref<10000x256xf32, #tpu.memory_space<hbm>>
    tpu.enqueue_indirect_dma source(%dma_start3A_21 : memref<10000x256xf32, #tpu.memory_space<hbm>>) target(%arg9 : memref<64x256xf32, #tpu.memory_space<vmem>>) offsets(%dma_start3A_18 : memref<64xi32, #tpu.memory_space<vmem>>) semaphore(%arg16 : memref<!tpu.dma_semaphore, #tpu.memory_space<semaphore_mem>>)
    %dma_start3A_22 = arith.constant 256 : i32
    %dma_start3A_23 = tpu.memref_slice %arg5[%dma_start3A_22] : memref<512xi32, #tpu.memory_space<vmem>> -> memref<64xi32, #tpu.memory_space<vmem>>
    %dma_start3A_24 = arith.constant 0 : i32
    %dma_start3A_25 = arith.constant 0 : i32
    %dma_start3A_26 = tpu.memref_slice %arg3[%dma_start3A_24, %dma_start3A_25] : memref<10000x256xf32, #tpu.memory_space<hbm>> -> memref<10000x256xf32, #tpu.memory_space<hbm>>
    tpu.enqueue_indirect_dma source(%dma_start3A_26 : memref<10000x256xf32, #tpu.memory_space<hbm>>) target(%arg10 : memref<64x256xf32, #tpu.memory_space<vmem>>) offsets(%dma_start3A_23 : memref<64xi32, #tpu.memory_space<vmem>>) semaphore(%arg17 : memref<!tpu.dma_semaphore, #tpu.memory_space<semaphore_mem>>)
    %dma_wait3A = arith.constant 0 : i32
    %dma_wait3A_27 = tpu.memref_slice %arg5[%dma_wait3A] : memref<512xi32, #tpu.memory_space<vmem>> -> memref<64xi32, #tpu.memory_space<vmem>>
    %dma_wait3A_28 = arith.constant 0 : i32
    %dma_wait3A_29 = arith.constant 0 : i32
    %dma_wait3A_30 = tpu.memref_slice %arg3[%dma_wait3A_28, %dma_wait3A_29] : memref<10000x256xf32, #tpu.memory_space<hbm>> -> memref<10000x256xf32, #tpu.memory_space<hbm>>
    tpu.wait_indirect_dma semaphore(%arg13 : memref<!tpu.dma_semaphore, #tpu.memory_space<semaphore_mem>>) src(%dma_wait3A_30 : memref<10000x256xf32, #tpu.memory_space<hbm>>) dst(%arg6 : memref<64x256xf32, #tpu.memory_space<vmem>>)
    %add3A_31 = arith.constant 0 : i32
    %add3A_32 = arith.addi %mul3A_2, %add3A_31 : i32
    %dma_start3A_33 = arith.constant 0 : i32
    %dma_start3A_34 = tpu.memref_slice %arg4[%add3A_32, %dma_start3A_33] : memref<16384x256xf32, #tpu.memory_space<hbm>> -> memref<64x256xf32, #tpu.memory_space<hbm>>
    %dma_start3A_35 = arith.constant 0 : i32
    %dma_start3A_36 = tpu.memref_slice %arg4[%add3A_32, %dma_start3A_35] : memref<16384x256xf32, #tpu.memory_space<hbm>> -> memref<64x256xf32, #tpu.memory_space<hbm>>
    tpu.enqueue_dma source(%arg6 : memref<64x256xf32, #tpu.memory_space<vmem>>) target(%dma_start3A_36 : memref<64x256xf32, #tpu.memory_space<hbm>>) target_semaphore(%arg20 : memref<!tpu.dma_semaphore, #tpu.memory_space<semaphore_mem>>)
    %dma_start3A_37 = arith.constant 320 : i32
    %dma_start3A_38 = tpu.memref_slice %arg5[%dma_start3A_37] : memref<512xi32, #tpu.memory_space<vmem>> -> memref<64xi32, #tpu.memory_space<vmem>>
    %dma_start3A_39 = arith.constant 0 : i32
    %dma_start3A_40 = arith.constant 0 : i32
    %dma_start3A_41 = tpu.memref_slice %arg3[%dma_start3A_39, %dma_start3A_40] : memref<10000x256xf32, #tpu.memory_space<hbm>> -> memref<10000x256xf32, #tpu.memory_space<hbm>>
    tpu.enqueue_indirect_dma source(%dma_start3A_41 : memref<10000x256xf32, #tpu.memory_space<hbm>>) target(%arg11 : memref<64x256xf32, #tpu.memory_space<vmem>>) offsets(%dma_start3A_38 : memref<64xi32, #tpu.memory_space<vmem>>) semaphore(%arg18 : memref<!tpu.dma_semaphore, #tpu.memory_space<semaphore_mem>>)
    %dma_wait3A_42 = arith.constant 64 : i32
    %dma_wait3A_43 = tpu.memref_slice %arg5[%dma_wait3A_42] : memref<512xi32, #tpu.memory_space<vmem>> -> memref<64xi32, #tpu.memory_space<vmem>>
    %dma_wait3A_44 = arith.constant 0 : i32
    %dma_wait3A_45 = arith.constant 0 : i32
    %dma_wait3A_46 = tpu.memref_slice %arg3[%dma_wait3A_44, %dma_wait3A_45] : memref<10000x256xf32, #tpu.memory_space<hbm>> -> memref<10000x256xf32, #tpu.memory_space<hbm>>
    tpu.wait_indirect_dma semaphore(%arg14 : memref<!tpu.dma_semaphore, #tpu.memory_space<semaphore_mem>>) src(%dma_wait3A_46 : memref<10000x256xf32, #tpu.memory_space<hbm>>) dst(%arg7 : memref<64x256xf32, #tpu.memory_space<vmem>>)
    %add3A_47 = arith.constant 64 : i32
    %add3A_48 = arith.addi %mul3A_2, %add3A_47 : i32
    %dma_start3A_49 = arith.constant 0 : i32
    %dma_start3A_50 = tpu.memref_slice %arg4[%add3A_48, %dma_start3A_49] : memref<16384x256xf32, #tpu.memory_space<hbm>> -> memref<64x256xf32, #tpu.memory_space<hbm>>
    %dma_start3A_51 = arith.constant 0 : i32
    %dma_start3A_52 = tpu.memref_slice %arg4[%add3A_48, %dma_start3A_51] : memref<16384x256xf32, #tpu.memory_space<hbm>> -> memref<64x256xf32, #tpu.memory_space<hbm>>
    tpu.enqueue_dma source(%arg7 : memref<64x256xf32, #tpu.memory_space<vmem>>) target(%dma_start3A_52 : memref<64x256xf32, #tpu.memory_space<hbm>>) target_semaphore(%arg21 : memref<!tpu.dma_semaphore, #tpu.memory_space<semaphore_mem>>)
    %dma_start3A_53 = arith.constant 384 : i32
    %dma_start3A_54 = tpu.memref_slice %arg5[%dma_start3A_53] : memref<512xi32, #tpu.memory_space<vmem>> -> memref<64xi32, #tpu.memory_space<vmem>>
    %dma_start3A_55 = arith.constant 0 : i32
    %dma_start3A_56 = arith.constant 0 : i32
    %dma_start3A_57 = tpu.memref_slice %arg3[%dma_start3A_55, %dma_start3A_56] : memref<10000x256xf32, #tpu.memory_space<hbm>> -> memref<10000x256xf32, #tpu.memory_space<hbm>>
    tpu.enqueue_indirect_dma source(%dma_start3A_57 : memref<10000x256xf32, #tpu.memory_space<hbm>>) target(%arg12 : memref<64x256xf32, #tpu.memory_space<vmem>>) offsets(%dma_start3A_54 : memref<64xi32, #tpu.memory_space<vmem>>) semaphore(%arg19 : memref<!tpu.dma_semaphore, #tpu.memory_space<semaphore_mem>>)
    %dma_wait3A_58 = arith.constant 128 : i32
    %dma_wait3A_59 = tpu.memref_slice %arg5[%dma_wait3A_58] : memref<512xi32, #tpu.memory_space<vmem>> -> memref<64xi32, #tpu.memory_space<vmem>>
    %dma_wait3A_60 = arith.constant 0 : i32
    %dma_wait3A_61 = arith.constant 0 : i32
    %dma_wait3A_62 = tpu.memref_slice %arg3[%dma_wait3A_60, %dma_wait3A_61] : memref<10000x256xf32, #tpu.memory_space<hbm>> -> memref<10000x256xf32, #tpu.memory_space<hbm>>
    tpu.wait_indirect_dma semaphore(%arg15 : memref<!tpu.dma_semaphore, #tpu.memory_space<semaphore_mem>>) src(%dma_wait3A_62 : memref<10000x256xf32, #tpu.memory_space<hbm>>) dst(%arg8 : memref<64x256xf32, #tpu.memory_space<vmem>>)
    %add3A_63 = arith.constant 128 : i32
    %add3A_64 = arith.addi %mul3A_2, %add3A_63 : i32
    %dma_start3A_65 = arith.constant 0 : i32
    %dma_start3A_66 = tpu.memref_slice %arg4[%add3A_64, %dma_start3A_65] : memref<16384x256xf32, #tpu.memory_space<hbm>> -> memref<64x256xf32, #tpu.memory_space<hbm>>
    %dma_start3A_67 = arith.constant 0 : i32
    %dma_start3A_68 = tpu.memref_slice %arg4[%add3A_64, %dma_start3A_67] : memref<16384x256xf32, #tpu.memory_space<hbm>> -> memref<64x256xf32, #tpu.memory_space<hbm>>
    tpu.enqueue_dma source(%arg8 : memref<64x256xf32, #tpu.memory_space<vmem>>) target(%dma_start3A_68 : memref<64x256xf32, #tpu.memory_space<hbm>>) target_semaphore(%arg22 : memref<!tpu.dma_semaphore, #tpu.memory_space<semaphore_mem>>)
    %dma_wait3A_69 = arith.constant 0 : i32
    %dma_wait3A_70 = tpu.memref_slice %arg4[%add3A_32, %dma_wait3A_69] : memref<16384x256xf32, #tpu.memory_space<hbm>> -> memref<64x256xf32, #tpu.memory_space<hbm>>
    %dma_wait3A_71 = arith.constant 0 : i32
    %dma_wait3A_72 = tpu.memref_slice %arg4[%add3A_32, %dma_wait3A_71] : memref<16384x256xf32, #tpu.memory_space<hbm>> -> memref<64x256xf32, #tpu.memory_space<hbm>>
    tpu.wait_dma2 semaphore(%arg20 : memref<!tpu.dma_semaphore, #tpu.memory_space<semaphore_mem>>) src(%arg6 : memref<64x256xf32, #tpu.memory_space<vmem>>) dst(%dma_wait3A_72 : memref<64x256xf32, #tpu.memory_space<hbm>>)
    %dma_start3A_73 = arith.constant 448 : i32
    %dma_start3A_74 = tpu.memref_slice %arg5[%dma_start3A_73] : memref<512xi32, #tpu.memory_space<vmem>> -> memref<64xi32, #tpu.memory_space<vmem>>
    %dma_start3A_75 = arith.constant 0 : i32
    %dma_start3A_76 = arith.constant 0 : i32
    %dma_start3A_77 = tpu.memref_slice %arg3[%dma_start3A_75, %dma_start3A_76] : memref<10000x256xf32, #tpu.memory_space<hbm>> -> memref<10000x256xf32, #tpu.memory_space<hbm>>
    tpu.enqueue_indirect_dma source(%dma_start3A_77 : memref<10000x256xf32, #tpu.memory_space<hbm>>) target(%arg6 : memref<64x256xf32, #tpu.memory_space<vmem>>) offsets(%dma_start3A_74 : memref<64xi32, #tpu.memory_space<vmem>>) semaphore(%arg13 : memref<!tpu.dma_semaphore, #tpu.memory_space<semaphore_mem>>)
    %dma_wait3A_78 = arith.constant 192 : i32
    %dma_wait3A_79 = tpu.memref_slice %arg5[%dma_wait3A_78] : memref<512xi32, #tpu.memory_space<vmem>> -> memref<64xi32, #tpu.memory_space<vmem>>
    %dma_wait3A_80 = arith.constant 0 : i32
    %dma_wait3A_81 = arith.constant 0 : i32
    %dma_wait3A_82 = tpu.memref_slice %arg3[%dma_wait3A_80, %dma_wait3A_81] : memref<10000x256xf32, #tpu.memory_space<hbm>> -> memref<10000x256xf32, #tpu.memory_space<hbm>>
    tpu.wait_indirect_dma semaphore(%arg16 : memref<!tpu.dma_semaphore, #tpu.memory_space<semaphore_mem>>) src(%dma_wait3A_82 : memref<10000x256xf32, #tpu.memory_space<hbm>>) dst(%arg9 : memref<64x256xf32, #tpu.memory_space<vmem>>)
    %add3A_83 = arith.constant 192 : i32
    %add3A_84 = arith.addi %mul3A_2, %add3A_83 : i32
    %dma_start3A_85 = arith.constant 0 : i32
    %dma_start3A_86 = tpu.memref_slice %arg4[%add3A_84, %dma_start3A_85] : memref<16384x256xf32, #tpu.memory_space<hbm>> -> memref<64x256xf32, #tpu.memory_space<hbm>>
    %dma_start3A_87 = arith.constant 0 : i32
    %dma_start3A_88 = tpu.memref_slice %arg4[%add3A_84, %dma_start3A_87] : memref<16384x256xf32, #tpu.memory_space<hbm>> -> memref<64x256xf32, #tpu.memory_space<hbm>>
    tpu.enqueue_dma source(%arg9 : memref<64x256xf32, #tpu.memory_space<vmem>>) target(%dma_start3A_88 : memref<64x256xf32, #tpu.memory_space<hbm>>) target_semaphore(%arg23 : memref<!tpu.dma_semaphore, #tpu.memory_space<semaphore_mem>>)
    %dma_wait3A_89 = arith.constant 256 : i32
    %dma_wait3A_90 = tpu.memref_slice %arg5[%dma_wait3A_89] : memref<512xi32, #tpu.memory_space<vmem>> -> memref<64xi32, #tpu.memory_space<vmem>>
    %dma_wait3A_91 = arith.constant 0 : i32
    %dma_wait3A_92 = arith.constant 0 : i32
    %dma_wait3A_93 = tpu.memref_slice %arg3[%dma_wait3A_91, %dma_wait3A_92] : memref<10000x256xf32, #tpu.memory_space<hbm>> -> memref<10000x256xf32, #tpu.memory_space<hbm>>
    tpu.wait_indirect_dma semaphore(%arg17 : memref<!tpu.dma_semaphore, #tpu.memory_space<semaphore_mem>>) src(%dma_wait3A_93 : memref<10000x256xf32, #tpu.memory_space<hbm>>) dst(%arg10 : memref<64x256xf32, #tpu.memory_space<vmem>>)
    %add3A_94 = arith.constant 256 : i32
    %add3A_95 = arith.addi %mul3A_2, %add3A_94 : i32
    %dma_start3A_96 = arith.constant 0 : i32
    %dma_start3A_97 = tpu.memref_slice %arg4[%add3A_95, %dma_start3A_96] : memref<16384x256xf32, #tpu.memory_space<hbm>> -> memref<64x256xf32, #tpu.memory_space<hbm>>
    %dma_start3A_98 = arith.constant 0 : i32
    %dma_start3A_99 = tpu.memref_slice %arg4[%add3A_95, %dma_start3A_98] : memref<16384x256xf32, #tpu.memory_space<hbm>> -> memref<64x256xf32, #tpu.memory_space<hbm>>
    tpu.enqueue_dma source(%arg10 : memref<64x256xf32, #tpu.memory_space<vmem>>) target(%dma_start3A_99 : memref<64x256xf32, #tpu.memory_space<hbm>>) target_semaphore(%arg24 : memref<!tpu.dma_semaphore, #tpu.memory_space<semaphore_mem>>)
    %dma_wait3A_100 = arith.constant 320 : i32
    %dma_wait3A_101 = tpu.memref_slice %arg5[%dma_wait3A_100] : memref<512xi32, #tpu.memory_space<vmem>> -> memref<64xi32, #tpu.memory_space<vmem>>
    %dma_wait3A_102 = arith.constant 0 : i32
    %dma_wait3A_103 = arith.constant 0 : i32
    %dma_wait3A_104 = tpu.memref_slice %arg3[%dma_wait3A_102, %dma_wait3A_103] : memref<10000x256xf32, #tpu.memory_space<hbm>> -> memref<10000x256xf32, #tpu.memory_space<hbm>>
    tpu.wait_indirect_dma semaphore(%arg18 : memref<!tpu.dma_semaphore, #tpu.memory_space<semaphore_mem>>) src(%dma_wait3A_104 : memref<10000x256xf32, #tpu.memory_space<hbm>>) dst(%arg11 : memref<64x256xf32, #tpu.memory_space<vmem>>)
    %add3A_105 = arith.constant 320 : i32
    %add3A_106 = arith.addi %mul3A_2, %add3A_105 : i32
    %dma_start3A_107 = arith.constant 0 : i32
    %dma_start3A_108 = tpu.memref_slice %arg4[%add3A_106, %dma_start3A_107] : memref<16384x256xf32, #tpu.memory_space<hbm>> -> memref<64x256xf32, #tpu.memory_space<hbm>>
    %dma_start3A_109 = arith.constant 0 : i32
    %dma_start3A_110 = tpu.memref_slice %arg4[%add3A_106, %dma_start3A_109] : memref<16384x256xf32, #tpu.memory_space<hbm>> -> memref<64x256xf32, #tpu.memory_space<hbm>>
    tpu.enqueue_dma source(%arg11 : memref<64x256xf32, #tpu.memory_space<vmem>>) target(%dma_start3A_110 : memref<64x256xf32, #tpu.memory_space<hbm>>) target_semaphore(%arg25 : memref<!tpu.dma_semaphore, #tpu.memory_space<semaphore_mem>>)
    %dma_wait3A_111 = arith.constant 384 : i32
    %dma_wait3A_112 = tpu.memref_slice %arg5[%dma_wait3A_111] : memref<512xi32, #tpu.memory_space<vmem>> -> memref<64xi32, #tpu.memory_space<vmem>>
    %dma_wait3A_113 = arith.constant 0 : i32
    %dma_wait3A_114 = arith.constant 0 : i32
    %dma_wait3A_115 = tpu.memref_slice %arg3[%dma_wait3A_113, %dma_wait3A_114] : memref<10000x256xf32, #tpu.memory_space<hbm>> -> memref<10000x256xf32, #tpu.memory_space<hbm>>
    tpu.wait_indirect_dma semaphore(%arg19 : memref<!tpu.dma_semaphore, #tpu.memory_space<semaphore_mem>>) src(%dma_wait3A_115 : memref<10000x256xf32, #tpu.memory_space<hbm>>) dst(%arg12 : memref<64x256xf32, #tpu.memory_space<vmem>>)
    %add3A_116 = arith.constant 384 : i32
    %add3A_117 = arith.addi %mul3A_2, %add3A_116 : i32
    %dma_start3A_118 = arith.constant 0 : i32
    %dma_start3A_119 = tpu.memref_slice %arg4[%add3A_117, %dma_start3A_118] : memref<16384x256xf32, #tpu.memory_space<hbm>> -> memref<64x256xf32, #tpu.memory_space<hbm>>
    %dma_start3A_120 = arith.constant 0 : i32
    %dma_start3A_121 = tpu.memref_slice %arg4[%add3A_117, %dma_start3A_120] : memref<16384x256xf32, #tpu.memory_space<hbm>> -> memref<64x256xf32, #tpu.memory_space<hbm>>
    tpu.enqueue_dma source(%arg12 : memref<64x256xf32, #tpu.memory_space<vmem>>) target(%dma_start3A_121 : memref<64x256xf32, #tpu.memory_space<hbm>>) target_semaphore(%arg26 : memref<!tpu.dma_semaphore, #tpu.memory_space<semaphore_mem>>)
    %dma_wait3A_122 = arith.constant 448 : i32
    %dma_wait3A_123 = tpu.memref_slice %arg5[%dma_wait3A_122] : memref<512xi32, #tpu.memory_space<vmem>> -> memref<64xi32, #tpu.memory_space<vmem>>
    %dma_wait3A_124 = arith.constant 0 : i32
    %dma_wait3A_125 = arith.constant 0 : i32
    %dma_wait3A_126 = tpu.memref_slice %arg3[%dma_wait3A_124, %dma_wait3A_125] : memref<10000x256xf32, #tpu.memory_space<hbm>> -> memref<10000x256xf32, #tpu.memory_space<hbm>>
    tpu.wait_indirect_dma semaphore(%arg13 : memref<!tpu.dma_semaphore, #tpu.memory_space<semaphore_mem>>) src(%dma_wait3A_126 : memref<10000x256xf32, #tpu.memory_space<hbm>>) dst(%arg6 : memref<64x256xf32, #tpu.memory_space<vmem>>)
    %add3A_127 = arith.constant 448 : i32
    %add3A_128 = arith.addi %mul3A_2, %add3A_127 : i32
    %dma_start3A_129 = arith.constant 0 : i32
    %dma_start3A_130 = tpu.memref_slice %arg4[%add3A_128, %dma_start3A_129] : memref<16384x256xf32, #tpu.memory_space<hbm>> -> memref<64x256xf32, #tpu.memory_space<hbm>>
    %dma_start3A_131 = arith.constant 0 : i32
    %dma_start3A_132 = tpu.memref_slice %arg4[%add3A_128, %dma_start3A_131] : memref<16384x256xf32, #tpu.memory_space<hbm>> -> memref<64x256xf32, #tpu.memory_space<hbm>>
    tpu.enqueue_dma source(%arg6 : memref<64x256xf32, #tpu.memory_space<vmem>>) target(%dma_start3A_132 : memref<64x256xf32, #tpu.memory_space<hbm>>) target_semaphore(%arg20 : memref<!tpu.dma_semaphore, #tpu.memory_space<semaphore_mem>>)
    %dma_wait3A_133 = arith.constant 0 : i32
    %dma_wait3A_134 = tpu.memref_slice %arg4[%add3A_48, %dma_wait3A_133] : memref<16384x256xf32, #tpu.memory_space<hbm>> -> memref<64x256xf32, #tpu.memory_space<hbm>>
    %dma_wait3A_135 = arith.constant 0 : i32
    %dma_wait3A_136 = tpu.memref_slice %arg4[%add3A_48, %dma_wait3A_135] : memref<16384x256xf32, #tpu.memory_space<hbm>> -> memref<64x256xf32, #tpu.memory_space<hbm>>
    tpu.wait_dma2 semaphore(%arg21 : memref<!tpu.dma_semaphore, #tpu.memory_space<semaphore_mem>>) src(%arg7 : memref<64x256xf32, #tpu.memory_space<vmem>>) dst(%dma_wait3A_136 : memref<64x256xf32, #tpu.memory_space<hbm>>)
    %dma_wait3A_137 = arith.constant 0 : i32
    %dma_wait3A_138 = tpu.memref_slice %arg4[%add3A_64, %dma_wait3A_137] : memref<16384x256xf32, #tpu.memory_space<hbm>> -> memref<64x256xf32, #tpu.memory_space<hbm>>
    %dma_wait3A_139 = arith.constant 0 : i32
    %dma_wait3A_140 = tpu.memref_slice %arg4[%add3A_64, %dma_wait3A_139] : memref<16384x256xf32, #tpu.memory_space<hbm>> -> memref<64x256xf32, #tpu.memory_space<hbm>>
    tpu.wait_dma2 semaphore(%arg22 : memref<!tpu.dma_semaphore, #tpu.memory_space<semaphore_mem>>) src(%arg8 : memref<64x256xf32, #tpu.memory_space<vmem>>) dst(%dma_wait3A_140 : memref<64x256xf32, #tpu.memory_space<hbm>>)
    %dma_wait3A_141 = arith.constant 0 : i32
    %dma_wait3A_142 = tpu.memref_slice %arg4[%add3A_84, %dma_wait3A_141] : memref<16384x256xf32, #tpu.memory_space<hbm>> -> memref<64x256xf32, #tpu.memory_space<hbm>>
    %dma_wait3A_143 = arith.constant 0 : i32
    %dma_wait3A_144 = tpu.memref_slice %arg4[%add3A_84, %dma_wait3A_143] : memref<16384x256xf32, #tpu.memory_space<hbm>> -> memref<64x256xf32, #tpu.memory_space<hbm>>
    tpu.wait_dma2 semaphore(%arg23 : memref<!tpu.dma_semaphore, #tpu.memory_space<semaphore_mem>>) src(%arg9 : memref<64x256xf32, #tpu.memory_space<vmem>>) dst(%dma_wait3A_144 : memref<64x256xf32, #tpu.memory_space<hbm>>)
    %dma_wait3A_145 = arith.constant 0 : i32
    %dma_wait3A_146 = tpu.memref_slice %arg4[%add3A_95, %dma_wait3A_145] : memref<16384x256xf32, #tpu.memory_space<hbm>> -> memref<64x256xf32, #tpu.memory_space<hbm>>
    %dma_wait3A_147 = arith.constant 0 : i32
    %dma_wait3A_148 = tpu.memref_slice %arg4[%add3A_95, %dma_wait3A_147] : memref<16384x256xf32, #tpu.memory_space<hbm>> -> memref<64x256xf32, #tpu.memory_space<hbm>>
    tpu.wait_dma2 semaphore(%arg24 : memref<!tpu.dma_semaphore, #tpu.memory_space<semaphore_mem>>) src(%arg10 : memref<64x256xf32, #tpu.memory_space<vmem>>) dst(%dma_wait3A_148 : memref<64x256xf32, #tpu.memory_space<hbm>>)
    %dma_wait3A_149 = arith.constant 0 : i32
    %dma_wait3A_150 = tpu.memref_slice %arg4[%add3A_106, %dma_wait3A_149] : memref<16384x256xf32, #tpu.memory_space<hbm>> -> memref<64x256xf32, #tpu.memory_space<hbm>>
    %dma_wait3A_151 = arith.constant 0 : i32
    %dma_wait3A_152 = tpu.memref_slice %arg4[%add3A_106, %dma_wait3A_151] : memref<16384x256xf32, #tpu.memory_space<hbm>> -> memref<64x256xf32, #tpu.memory_space<hbm>>
    tpu.wait_dma2 semaphore(%arg25 : memref<!tpu.dma_semaphore, #tpu.memory_space<semaphore_mem>>) src(%arg11 : memref<64x256xf32, #tpu.memory_space<vmem>>) dst(%dma_wait3A_152 : memref<64x256xf32, #tpu.memory_space<hbm>>)
    %dma_wait3A_153 = arith.constant 0 : i32
    %dma_wait3A_154 = tpu.memref_slice %arg4[%add3A_117, %dma_wait3A_153] : memref<16384x256xf32, #tpu.memory_space<hbm>> -> memref<64x256xf32, #tpu.memory_space<hbm>>
    %dma_wait3A_155 = arith.constant 0 : i32
    %dma_wait3A_156 = tpu.memref_slice %arg4[%add3A_117, %dma_wait3A_155] : memref<16384x256xf32, #tpu.memory_space<hbm>> -> memref<64x256xf32, #tpu.memory_space<hbm>>
    tpu.wait_dma2 semaphore(%arg26 : memref<!tpu.dma_semaphore, #tpu.memory_space<semaphore_mem>>) src(%arg12 : memref<64x256xf32, #tpu.memory_space<vmem>>) dst(%dma_wait3A_156 : memref<64x256xf32, #tpu.memory_space<hbm>>)
    %dma_wait3A_157 = arith.constant 0 : i32
    %dma_wait3A_158 = tpu.memref_slice %arg4[%add3A_128, %dma_wait3A_157] : memref<16384x256xf32, #tpu.memory_space<hbm>> -> memref<64x256xf32, #tpu.memory_space<hbm>>
    %dma_wait3A_159 = arith.constant 0 : i32
    %dma_wait3A_160 = tpu.memref_slice %arg4[%add3A_128, %dma_wait3A_159] : memref<16384x256xf32, #tpu.memory_space<hbm>> -> memref<64x256xf32, #tpu.memory_space<hbm>>
    tpu.wait_dma2 semaphore(%arg20 : memref<!tpu.dma_semaphore, #tpu.memory_space<semaphore_mem>>) src(%arg6 : memref<64x256xf32, #tpu.memory_space<vmem>>) dst(%dma_wait3A_160 : memref<64x256xf32, #tpu.memory_space<hbm>>)
    return
  }
}

</mosaic_0001>

<sc_bundles>
// kernel: kernel.3.cloned.1.call-start
scs
__scs_entry_jumppad:
0x0: {  	(pc) =	sbr.rel $0x88, $3  }
0x1: {  	(tag) =	ssettag $0x0;
	lr =	simm.s32 $0x1  }
0x2: {  	[smem:$0x3F9F] =	sst lr;
	_ =	strace $0xD0000000  }
0x3: {  	_ = 	snop  }
0x4: {  	_ = 	snop  }
0x5: {  	_ = 	snop  }
0x6: {  	_ = 	snop  }
0x7: {  	_ = 	snop  }
__scs_overlays_trampoline_lowered:
0x8: {  	[smem:$0x3FAE] =	sst s0  }
0x9: {  	[smem:$0x3FAF] =	sst s1  }
0xa: {  	[smem:$0x3FB0] =	sst s2  }
0xb: {  	[smem:$0x3FB1] =	sst s3  }
0xc: {  	[smem:$0x3FB2] =	sst s4  }
0xd: {  	[smem:$0x3FB3] =	sst s5  }
0xe: {  	[smem:$0x3FB4] =	sst s6  }
0xf: {  	[smem:$0x3FB5] =	sst s7  }
0x10: {  	[smem:$0x3FB6] =	sst s8  }
0x11: {  	[smem:$0x3FB7] =	sst s9;
	s0 =	simm.s32 @!p0 $0x0  }
0x12: {  	s1 =	sld [smem:$0x3F9D];
	s0 =	simm.s32 @p0 $0x1  }
0x13: {  	[smem:$0x3FB8] =	sst s0;
	s0 =	simm.s32 @!p1 $0x0  }
0x14: {  	s2 =	sld [smem:$0x3F9C];
	s0 =	simm.s32 @p1 $0x1  }
0x15: {  	[smem:$0x3FB9] =	sst s0;
	s0 =	simm.s32 @!p2 $0x0  }
0x16: {  	s3 =	sld [smem:$0x3FDB];
	s0 =	simm.s32 @p2 $0x1  }
0x17: {  	s4 =	simm.s32 $0x1BF5;
	[smem:$0x3FBB] =	sst s0  }
0x18: {  	s0 =	sld [smem:$0x3F9E];
	_ =	swait.ge [sflag:s4], $0x0  }
0x19: {  	s7 =	sld [smem:$0x3F9F]  }
0x1a: {  	s8 =	sadd.s32 $0xFFFFE003, lr  }
0x1b: {  	s9 =	sadd.s32 $0xFFFFFEF7, lr;
	s5 =	simm.s32 $0xFFFFFFFF;
	p2 =	slt.u32 s8, $0xFFFFF086  }
0x1c: {  	p1 =	slt.u32 s9, $0xF7A;
	s5 =	simm.s32 @!p2 $0x0  }
0x1d: {  	s5 =	simm.s32 @p1 $0x1;
	p0 =	seq.s32 s7, s2  }
0x1e: {  	s7 =	smul.u32 @!p0 $0xF7A, s2;
	p2 =	seq.s32 @!p0 s5, $0x0  }
0x1f: {  	s9 =	smul.u32 $0xF7A, s1;
	s8 =	simm.s32 @!p0 $0x1BF5;
	p2 =	por !p2, p0  }
0x20: {  	[sflag:s8] =	ssyncset.s32 @!p0 $0xFFFFF086;
	s6 =	sadd.s32 @!p0 s3, s7;
	s7 =	simm.s32 @!p0 $0x108  }
0x21: {  	s3 =	sadd.s32 s3, s9;
	s6 =	sadd.s32 @!p0 $0x88, s6;
	s7 =	simm.s32 @p2 $0x1082  }
0x22: {  	[simem:s7], [sflag:s8] =	dma.local @!p0 [hbm:s6], $0xF7A  }
0x23: {  	s9 =	sor.u32 $0xD0000000, s2;
	s6 =	simm.s32 $0x108;
	_ =	swait.ge @!p0 [sflag:s8], $0x0  }
0x24: {  	s3 =	sadd.s32 $0x88, s3;
	s6 =	simm.s32 @!p1 $0x1082;
	[sflag:s4] =	ssyncset.s32 $0xFFFFF086  }
0x25: {  	[simem:s6], [sflag:s4] =	dma.local [hbm:s3], $0xF7A  }
0x26: {  	[smem:$0x3F9F] =	sst s1;
	(tag) =	ssettag s2;
	_ =	strace s9  }
0x27: {  	s1 =	sld [smem:$0x3FAF]  }
0x28: {  	s2 =	sld [smem:$0x3FB0]  }
0x29: {  	s4 =	sld [smem:$0x3FB2]  }
0x2a: {  	p0 =	seq.s32 s5, $0x0;
	s5 =	sld [smem:$0x3FB3]  }
0x2b: {  	s6 =	sld [smem:$0x3FB4]  }
0x2c: {  	s7 =	sld [smem:$0x3FB5]  }
0x2d: {  	s3 =	simm.s32 $0x108;
	s8 =	sld [smem:$0x3FB6]  }
0x2e: {  	s3 =	simm.s32 @!p0 $0x1082;
	s9 =	sld [smem:$0x3FB7]  }
0x2f: {  	lr =	sadd.s32 s0, s3;
	s0 =	sld [smem:$0x3FAE]  }
0x30: {  	s3 =	sld [smem:$0x3FB1]  }
0x31: {  	[smem:$0x3FBA] =	sst s10  }
0x32: {  	s10 =	sld [smem:$0x3FB8];
	_ =	sdelay $0x3  }
0x33: {  	p0 =	seq.s32 s10, $0x1;
	s10 =	sld [smem:$0x3FBA];
	_ =	sdelay $0x3  }
0x34: {  	[smem:$0x3FBA] =	sst s10  }
0x35: {  	s10 =	sld [smem:$0x3FB9];
	_ =	sdelay $0x3  }
0x36: {  	p1 =	seq.s32 s10, $0x1;
	s10 =	sld [smem:$0x3FBA];
	_ =	sdelay $0x3  }
0x37: {  	[smem:$0x3FBA] =	sst s10  }
0x38: {  	s10 =	sld [smem:$0x3FBB]  }
0x39: {  	_ = 	snop;
	(pc) =	sbr.ind lr, $3  }
0x3a: {  	_ = 	snop  }
0x3b: {  	_ = 	snop  }
0x3c: {  	p2 =	seq.s32 s10, $0x1;
	s10 =	sld [smem:$0x3FBA]  }
0x3d: {  	_ =	shalt  }
0x3e: {  	_ =	shalt  }
0x3f: {  	_ =	shalt  }
0x40: {  	_ =	shalt  }
0x41: {  	_ =	shalt  }
0x42: {  	_ =	shalt  }
0x43: {  	_ =	shalt  }
0x44: {  	_ =	shalt  }
0x45: {  	_ =	shalt  }
0x46: {  	_ =	shalt  }
0x47: {  	_ =	shalt  }
0x48: {  	_ =	shalt  }
0x49: {  	_ =	shalt  }
0x4a: {  	_ =	shalt  }
0x4b: {  	_ =	shalt  }
0x4c: {  	_ =	shalt  }
0x4d: {  	_ =	shalt  }
0x4e: {  	_ =	shalt  }
0x4f: {  	_ =	shalt  }
0x50: {  	_ =	shalt  }
0x51: {  	_ =	shalt  }
0x52: {  	_ =	shalt  }
0x53: {  	_ =	shalt  }
0x54: {  	_ =	shalt  }
0x55: {  	_ =	shalt  }
0x56: {  	_ =	shalt  }
0x57: {  	_ =	shalt  }
0x58: {  	_ =	shalt  }
0x59: {  	_ =	shalt  }
0x5a: {  	_ =	shalt  }
0x5b: {  	_ =	shalt  }
0x5c: {  	_ =	shalt  }
0x5d: {  	_ =	shalt  }
0x5e: {  	_ =	shalt  }
0x5f: {  	_ =	shalt  }
0x60: {  	_ =	shalt  }
0x61: {  	_ =	shalt  }
0x62: {  	_ =	shalt  }
0x63: {  	_ =	shalt  }
0x64: {  	_ =	shalt  }
0x65: {  	_ =	shalt  }
0x66: {  	_ =	shalt  }
0x67: {  	_ =	shalt  }
0x68: {  	_ =	shalt  }
0x69: {  	_ =	shalt  }
0x6a: {  	_ =	shalt  }
0x6b: {  	_ =	shalt  }
0x6c: {  	_ =	shalt  }
0x6d: {  	_ =	shalt  }
0x6e: {  	_ =	shalt  }
0x6f: {  	_ =	shalt  }
0x70: {  	_ =	shalt  }
0x71: {  	_ =	shalt  }
0x72: {  	_ =	shalt  }
0x73: {  	_ =	shalt  }
0x74: {  	_ =	shalt  }
0x75: {  	_ =	shalt  }
0x76: {  	_ =	shalt  }
0x77: {  	_ =	shalt  }
0x78: {  	_ =	shalt  }
0x79: {  	_ =	shalt  }
0x7a: {  	_ =	shalt  }
0x7b: {  	_ =	shalt  }
0x7c: {  	_ =	shalt  }
0x7d: {  	_ =	shalt  }
0x7e: {  	_ =	shalt  }
0x7f: {  	_ =	shalt  }
0x80: {  	_ =	shalt  }
0x81: {  	_ =	shalt  }
0x82: {  	_ =	shalt  }
0x83: {  	_ =	shalt  }
0x84: {  	_ =	shalt  }
0x85: {  	_ =	shalt  }
0x86: {  	_ =	shalt  }
0x87: {  	_ =	shalt  }
.Lfunc_end0:
.L_simem_size_0:
called_computation_lowered:
.L_overlay_start_0:
0x88: {  	s2 =	sld [smem:$0x3FD9]  }
0x89: {  	s3 =	sld [smem:$0x3FFE];
	_ =	sdelay $0x1  }
0x8a: {  	s1 =	srdreg.scid  }
0x8b: {  	s0 =	sand.u32 $0x1, s1  }
0x8c: {  	s18 =	sshll.u32 s0, $0xA;
	s2 =	sadd.s32 s3, s2  }
0x8d: {  	s2 =	sadd.s32 s2, s18  }
0x8e: {  	[smem:$0x3FC6] =	sst s2  }
0x8f: {  	_ = 	snop  }
0x90: {  	s2 =	sld [smem:$0x3FC9]  }
0x91: {  	s19 =	sld [smem:$0x3FC8]  }
0x92: {  	s4 =	sld [smem:$0x3FD0];
	(tm) =	ssettm $0x1  }
0x93: {  	s5 =	sld [smem:$0x3FFB];
	_ =	sdelay $0x3  }
0x94: {  	_ =	strace s5  }
0x95: {  	s5 =	sld [smem:$0x3FFC];
	_ =	sdelay $0x3  }
0x96: {  	_ =	strace s5  }
0x97: {  	s5 =	sld [smem:$0x3FFD];
	_ =	sdelay $0x3  }
0x98: {  	_ =	strace s5  }
0x99: {  	_ =	strace $0x8FFFFFFF  }
0x9a: {  	s20 =	sld [smem:$0x3FDB];
	_ =	sdelay $0x1  }
0x9b: {  	s6 =	simm.s32 $_scs_section_size  }
0x9c: {  	s7 =	simm.s32 $_size__tile_overlayer_lowered;
	s8 =	simm.s32 $_tile_overlayer_lowered  }
0x9d: {  	s23 =	simm.s32 $0x1BFF;
	s22 =	sshll.u32 s8, $0x1;
	s5 =	sadd.s32 s6, s20  }
0x9e: {  	s9 =	simm.s32 $0x0;
	s21 =	sshll.u32 s7, $0x1;
	s7 =	sadd.s32 s22, s5  }
0x9f: {  	[timem:s9], [sflag:s23] =	dma.local [hbm:s7], s21  }
0xa0: {  	_ =	swait.ge [sflag:s23], s21  }
0xa1: {  	s6 =	ssub.s32 $0x0, s21;
	[sflag:s23] =	ssyncset.done $0x0  }
0xa2: {  	[sflag:s23] =	ssyncadd.s32 s6;
	_ =	sdelay $0x1  }
0xa3: {  	s24 =	simm.s32 $0x1B8B  }
0xa4: {  	_ =	swait.ge [sflag:s24], $0x1  }
0xa5: {  	[sflag:s24] =	ssyncset.done $0x0  }
0xa6: {  	s25 =	simm.s32 $0x1B8E;
	[sflag:s24] =	ssyncadd.s32 $0xFFFFFFFF  }
0xa7: {  	s26 =	simm.s32 $execute0_lowered;
	[smem:$0x3FD2] =	sst s25  }
0xa8: {  	s6 =	sshll.u32 s26, $0x1;
	_ =	strace $0x80000046;
	[dreg:$0x1] =	wrdreg $0xFFFFFFFF  }
0xa9: {  	s28 =	simm.s32 $_size_execute0_lowered;
	s5 =	sadd.s32 s5, s6;
	[dreg:$0x0] =	wrdreg $0x0  }
0xaa: {  	s6 =	sshll.u32 s28, $0x1;
	[dreg:$0x2] =	wrdreg s5  }
0xab: {  	[dreg:$0x3] =	wrdreg s6  }
0xac: {  	[dreg:$0x4] =	wrdreg $0xC0  }
0xad: {  	_ =	task [dreg:s9], $0x5FFFF  }
0xae: {  	[dreg:$0x1] =	wrdreg $0xFFFFFFFF  }
0xaf: {  	[dreg:$0x0] =	wrdreg $0x60  }
0xb0: {  	[dreg:$0x2] =	wrdreg s2  }
0xb1: {  	[dreg:$0x3] =	wrdreg s19  }
0xb2: {  	[dreg:$0x4] =	wrdreg s4  }
0xb3: {  	[dreg:$0x5] =	wrdreg $0x9  }
0xb4: {  	_ =	task.clear_ibuf [dreg:s9], $0x6FFFF;
	_ =	strace $0x90000046  }
0xb5: {  	s29 =	simm.s32 $0x9;
	_ =	strace $0x80000048  }
0xb6: {  	_ =	swait.ge [sflag:s29], $0x1  }
0xb7: {  	[sflag:s29] =	ssyncadd.s32 $0xFFFFFFFF  }
0xb8: {  	_ =	strace $0x90000048  }
0xb9: {  	_ =	sfence  }
0xba: {  	s30 =	sld [smem:$0x0];
	_ =	sdelay $0x2  }
0xbb: {  	s31 =	sshll.u32 s1, $0xD;
	s1 =	sshrl.u32 s1, $0x2  }
0xbc: {  	s3 =	sand.u32 $0x4000, s31;
	s1 =	sadd.s32 s1, s30  }
0xbd: {  	s0 =	sor.u32 s3, s0;
	s1 =	sshll.u32 s1, $0x11  }
0xbe: {  	s0 =	sor.u32 s1, s0  }
0xbf: {  	s0 =	sadd.s32 $0x8F2B, s0  }
0xc0: {  	[sflag:s0] =	ssyncadd.remote.s32 $0x1  }
0xc1: {  	_ =	sfence.sel $0xFFFF  }
0xc2: {  	[dreg:$0x0] =	wrdreg $0xFFFFFFFF;
	(pc) =	sbr.abs _section_cstart, $3  }
0xc3: {  	[dreg:$0x1] =	wrdreg $0xFFFFFFFF  }
0xc4: {  	_ =	task.clear_ibuf [dreg:s9], $0x2FFFF;
	_ =	strace $0x9FFFFFFF  }
0xc5: {  	(tm) =	ssettm $0x7FFFFFFF  }
tec
execute0_lowered:
.L_overlay_start_1:
0x0: {  	(tag) =	ssettag $0x1  }
0x1: {  	s1 =	rddreg [dreg:$0x0]  }
0x2: {  	s2 =	rddreg [dreg:$0x1];
	s3 =	stileid.u32  }
0x3: {  	s4 =	rddreg [dreg:$0x2];
	s6 =	sshll.u32 s3, $0x9;
	s3 =	simm.s32 $0x0  }
0x4: {  	s7 =	simm.s32 $0x4A00;
	[smem:$0x7FF] =	sst s3  }
0x5: {  	s8 =	simm.s32 $0x5200;
	_ =	strace $0x80000047;
	[dreg:$0xc] =	wrdreg s7  }
0x6: {  	s9 =	simm.s32 $0x5A00;
	[dreg:$0xd] =	wrdreg s8  }
0x7: {  	s10 =	simm.s32 $0x6200;
	[dreg:$0xe] =	wrdreg s9  }
0x8: {  	s11 =	simm.s32 $0x6A00;
	[dreg:$0xf] =	wrdreg s10  }
0x9: {  	s12 =	simm.s32 $0x7200;
	[dreg:$0x10] =	wrdreg s11  }
0xa: {  	s13 =	simm.s32 $0x7A00;
	[dreg:$0x11] =	wrdreg s12  }
0xb: {  	s14 =	simm.s32 $0x8A00;
	[dreg:$0x12] =	wrdreg s13  }
0xc: {  	s15 =	simm.s32 $0x9200;
	[dreg:$0x13] =	wrdreg s14  }
0xd: {  	s16 =	simm.s32 $0x9A00;
	[dreg:$0x14] =	wrdreg s15  }
0xe: {  	s17 =	simm.s32 $0xA200;
	[dreg:$0x15] =	wrdreg s16  }
0xf: {  	s18 =	simm.s32 $0xAA00;
	[dreg:$0x16] =	wrdreg s17  }
0x10: {  	s19 =	simm.s32 $0xB200;
	[dreg:$0x17] =	wrdreg s18  }
0x11: {  	s20 =	simm.s32 $0xBA00;
	[dreg:$0x18] =	wrdreg s19  }
0x12: {  	s21 =	simm.s32 $0xCA00;
	[dreg:$0x19] =	wrdreg s20  }
0x13: {  	[dreg:$0x1a] =	wrdreg s21;
	s7 =	simm.s32 $0x11A00  }
0x14: {  	s9 =	simm.s32 $0x12200;
	[smem:$0x7EB] =	sst s7  }
0x15: {  	s10 =	simm.s32 $0x12A00;
	[smem:$0x7EC] =	sst s9  }
0x16: {  	s11 =	simm.s32 $0x13200;
	[smem:$0x7ED] =	sst s10  }
0x17: {  	s12 =	simm.s32 $0x13A00;
	[smem:$0x7EE] =	sst s11  }
0x18: {  	s13 =	simm.s32 $0x14A00;
	[smem:$0x7EF] =	sst s12  }
0x19: {  	s14 =	simm.s32 $0x15200;
	[smem:$0x7F0] =	sst s13  }
0x1a: {  	s0 =	srdreg.scid;
	s15 =	simm.s32 $0x15A00;
	[smem:$0x7F1] =	sst s14  }
0x1b: {  	s28 =	simm.s32 $0x6;
	s16 =	simm.s32 $0x16200;
	[smem:$0x7F2] =	sst s15  }
0x1c: {  	s29 =	simm.s32 $0x7;
	s17 =	simm.s32 $0x16A00;
	[smem:$0x7F3] =	sst s16  }
0x1d: {  	s0 =	sand.u32 $0x1, s0;
	s18 =	simm.s32 $0x17200;
	[smem:$0x7F4] =	sst s17  }
0x1e: {  	s5 =	sshll.u32 s0, $0xD;
	s19 =	simm.s32 $0x17A00;
	[smem:$0x7F5] =	sst s18  }
0x1f: {  	s5 =	sor.u32 s6, s5;
	s20 =	simm.s32 $0x18A00;
	[smem:$0x7F6] =	sst s19  }
0x20: {  	s21 =	simm.s32 $0x19200;
	s6 =	sshrl.u32 s5, $0x3;
	[smem:$0x7F7] =	sst s20  }
0x21: {  	s5 =	sshll.u32 s5, $0x5;
	[smem:$0x7F8] =	sst s21;
	s1 =	sadd.s32 s1, s6  }
0x22: {  	s30 =	simm.s32 $0x9;
	s4 =	sadd.s32 s4, s5;
	[dreg:$0x4] =	wrdreg s1  }
0x23: {  	s31 =	simm.s32 $0xA;
	s22 =	sadd.s32 $0x800, s4;
	[smem:$0x7E7] =	sst s4  }
0x24: {  	s0 =	ssub.s32 $0x2, s0;
	s23 =	sadd.s32 $0x1000, s4;
	[dreg:$0x5] =	wrdreg s22  }
0x25: {  	s8 =	sshrl.u32 s0, $0x1;
	s24 =	sadd.s32 $0x1800, s4;
	[dreg:$0x6] =	wrdreg s23  }
0x26: {  	s0 =	ssub.s32 s0, s8;
	s25 =	sadd.s32 $0x2000, s4;
	[dreg:$0x7] =	wrdreg s24  }
0x27: {  	s7 =	simm.s32 $0x200;
	s26 =	sadd.s32 $0x2800, s4;
	[dreg:$0x8] =	wrdreg s25  }
0x28: {  	s19 =	simm.s32 $0x1;
	s5 =	sadd.s32 $0x3000, s4;
	[dreg:$0x9] =	wrdreg s26  }
0x29: {  	s8 =	simm.s32 $0xD;
	s6 =	sadd.s32 $0x3800, s4;
	[dreg:$0xa] =	wrdreg s5  }
0x2a: {  	s9 =	simm.s32 $0xE;
	s4 =	simm.s32 $0xFA00;
	[dreg:$0xb] =	wrdreg s6  }
0x2b: {  	s12 =	simm.s32 $0xA00;
	s22 =	simm.s32 $0xD200;
	[smem:$0x7E8] =	sst s4  }
0x2c: {  	s13 =	simm.s32 $0x1200;
	s23 =	simm.s32 $0xDA00;
	[dreg:$0x1b] =	wrdreg s22  }
0x2d: {  	s14 =	simm.s32 $0x1A00;
	s24 =	simm.s32 $0xE200;
	[dreg:$0x1c] =	wrdreg s23  }
0x2e: {  	s15 =	simm.s32 $0x2200;
	s25 =	simm.s32 $0xEA00;
	[dreg:$0x1d] =	wrdreg s24  }
0x2f: {  	s16 =	simm.s32 $0x2A00;
	s26 =	simm.s32 $0xF200;
	[dreg:$0x1e] =	wrdreg s25  }
0x30: {  	s17 =	simm.s32 $0x3200;
	s5 =	simm.s32 $0x10A00;
	[dreg:$0x1f] =	wrdreg s26  }
0x31: {  	s18 =	simm.s32 $0x3A00;
	s6 =	simm.s32 $0x11200;
	[smem:$0x7E9] =	sst s5  }
0x32: {  	s21 =	simm.s32 $0x14200;
	[smem:$0x7EA] =	sst s6;
	s22 =	simm.s32 $0x19A00  }
0x33: {  	s1 =	simm.s32 $0xB;
	s23 =	simm.s32 $0x1A200;
	[smem:$0x7F9] =	sst s22  }
0x34: {  	s5 =	smax.u32 s0, $0x1;
	s24 =	simm.s32 $0x1AA00;
	[smem:$0x7FA] =	sst s23  }
0x35: {  	s25 =	simm.s32 $0x1B200;
	s26 =	simm.s32 $0x1BA00;
	[smem:$0x7FB] =	sst s24  }
0x36: {  	v2 =	vlaneseq.u32;
	s0 =	simm.s32 $0xC;
	s6 =	simm.s32 $0x10200;
	[smem:$0x7FC] =	sst s25  }
0x37: {  	vm0 =	vmmov $0xffff;
	v1 =	vshrl.u32 v2, $0x3;
	[smem:$0x7FD] =	sst s26;
	s23 =	simm.s32 $0x3;
	s24 =	simm.s32 $0x8  }
0x38: {  	v0 =	vand.u32 $0x7, v2;
	v2 =	vor.u32 $0x8, v2;
	v1 =	vmul.u32 $0x8, v1;
	s25 =	simm.s32 $0x4;
	s26 =	simm.s32 $0x5;
	s22 =	simm.s32 $0xC200  }
.LBB2_1:
0x39: {  	s10 =	rddreg [dreg:$0x4];
	s4 =	simm.s32 $0xF  }
0x3a: {  	[tilespmem:s3], [sflag:$0xF] =	stream.linear.gather [hbm4b:s10+s3], $0x200, $0x38;
	[tilespmem:$0x1C200] =	vst v63  }
0x3b: {  	_ =	swait.ge [sflag:s4], $0x200  }
0x3c: {  	[sflag:s4] =	ssyncset.done $0x0  }
0x3d: {  	[sflag:s4] =	ssyncadd.s32 $0xFFFFFE00  }
0x3e: {  	v3 =	vld [tilespmem:$0x0];
	_ =	sdelay $0x4  }
0x3f: {  	v4 =	vshll.u32 v3, $0x1  }
0x40: {  	v3 =	vand.u32 $0x7, v3;
	v4 =	vand.u32 $0xFFFFFFF0, v4  }
0x41: {  	v3 =	vor.u32 v3, v4  }
0x42: {  	v4 =	vperm.xlane v3, v0;
	_ =	sdelay $0x1  }
0x43: {  	v3 =	vperm.xlane v3, v2;
	v4 =	vadd.s32 v1, v4;
	_ =	sdelay $0x1  }
0x44: {  	v3 =	vadd.s32 v1, v3;
	_ =	sdelay $0x2  }
0x45: {  	[tilespmem:s7], [sflag:$0x1] =	stream.indirect_vreg.gather [hbm4b:s2+s3], $0x80, v4, vm0, $0xb8;
	[tilespmem:$0x1C200] =	vst v63  }
0x46: {  	_ = 	snop  }
0x47: {  	[tilespmem:s12], [sflag:$0x1] =	stream.indirect_vreg.gather [hbm4b:s2+s3], $0x80, v3, vm0, $0xb8;
	[tilespmem:$0x1C200] =	vst v63  }
0x48: {  	v3 =	vld [tilespmem:$0x10];
	_ =	sdelay $0x4  }
0x49: {  	v33 =	vshll.u32 v3, $0x1  }
0x4a: {  	v3 =	vand.u32 $0x7, v3;
	v4 =	vand.u32 $0xFFFFFFF0, v33  }
0x4b: {  	v3 =	vor.u32 v3, v4  }
0x4c: {  	v4 =	vperm.xlane v3, v0;
	_ =	sdelay $0x1  }
0x4d: {  	v3 =	vperm.xlane v3, v2;
	v4 =	vadd.s32 v1, v4;
	_ =	sdelay $0x1  }
0x4e: {  	v3 =	vadd.s32 v1, v3;
	_ =	sdelay $0x2  }
0x4f: {  	[tilespmem:s13], [sflag:$0x1] =	stream.indirect_vreg.gather [hbm4b:s2+s3], $0x80, v4, vm0, $0xb8;
	[tilespmem:$0x1C200] =	vst v63  }
0x50: {  	_ = 	snop  }
0x51: {  	[tilespmem:s14], [sflag:$0x1] =	stream.indirect_vreg.gather [hbm4b:s2+s3], $0x80, v3, vm0, $0xb8;
	[tilespmem:$0x1C200] =	vst v63  }
0x52: {  	v3 =	vld [tilespmem:$0x20];
	_ =	sdelay $0x4  }
0x53: {  	v34 =	vshll.u32 v3, $0x1  }
0x54: {  	v3 =	vand.u32 $0x7, v3;
	v4 =	vand.u32 $0xFFFFFFF0, v34  }
0x55: {  	v3 =	vor.u32 v3, v4  }
0x56: {  	v4 =	vperm.xlane v3, v0;
	_ =	sdelay $0x1  }
0x57: {  	v3 =	vperm.xlane v3, v2;
	v4 =	vadd.s32 v1, v4;
	_ =	sdelay $0x1  }
0x58: {  	v3 =	vadd.s32 v1, v3;
	_ =	sdelay $0x2  }
0x59: {  	[tilespmem:s15], [sflag:$0x1] =	stream.indirect_vreg.gather [hbm4b:s2+s3], $0x80, v4, vm0, $0xb8;
	[tilespmem:$0x1C200] =	vst v63  }
0x5a: {  	_ = 	snop  }
0x5b: {  	[tilespmem:s16], [sflag:$0x1] =	stream.indirect_vreg.gather [hbm4b:s2+s3], $0x80, v3, vm0, $0xb8;
	[tilespmem:$0x1C200] =	vst v63  }
0x5c: {  	v3 =	vld [tilespmem:$0x30];
	_ =	sdelay $0x4  }
0x5d: {  	v35 =	vshll.u32 v3, $0x1  }
0x5e: {  	v3 =	vand.u32 $0x7, v3;
	v4 =	vand.u32 $0xFFFFFFF0, v35  }
0x5f: {  	v3 =	vor.u32 v3, v4  }
0x60: {  	v4 =	vperm.xlane v3, v0;
	_ =	sdelay $0x1  }
0x61: {  	v3 =	vperm.xlane v3, v2;
	v4 =	vadd.s32 v1, v4;
	_ =	sdelay $0x1  }
0x62: {  	v3 =	vadd.s32 v1, v3;
	_ =	sdelay $0x2  }
0x63: {  	[tilespmem:s17], [sflag:$0x1] =	stream.indirect_vreg.gather [hbm4b:s2+s3], $0x80, v4, vm0, $0xb8;
	[tilespmem:$0x1C200] =	vst v63  }
0x64: {  	_ = 	snop  }
0x65: {  	[tilespmem:s18], [sflag:$0x1] =	stream.indirect_vreg.gather [hbm4b:s2+s3], $0x80, v3, vm0, $0xb8;
	[tilespmem:$0x1C200] =	vst v63  }
0x66: {  	v3 =	vld [tilespmem:$0x40];
	_ =	sdelay $0x4  }
0x67: {  	v36 =	vshll.u32 v3, $0x1  }
0x68: {  	v3 =	vand.u32 $0x7, v3;
	v4 =	vand.u32 $0xFFFFFFF0, v36  }
0x69: {  	v3 =	vor.u32 v3, v4  }
0x6a: {  	v4 =	vperm.xlane v3, v0;
	_ =	sdelay $0x1  }
0x6b: {  	v3 =	vperm.xlane v3, v2;
	v4 =	vadd.s32 v1, v4;
	_ =	sdelay $0x1  }
0x6c: {  	v3 =	vadd.s32 v1, v3;
	_ =	sdelay $0x1  }
0x6d: {  	s20 =	simm.s32 $0x4200  }
0x6e: {  	[tilespmem:s20], [sflag:$0x2] =	stream.indirect_vreg.gather [hbm4b:s2+s3], $0x80, v4, vm0, $0xb8;
	[tilespmem:$0x1C200] =	vst v63  }
0x6f: {  	s11 =	rddreg [dreg:$0xc]  }
0x70: {  	[tilespmem:s11], [sflag:$0x2] =	stream.indirect_vreg.gather [hbm4b:s2+s3], $0x80, v3, vm0, $0xb8;
	[tilespmem:$0x1C200] =	vst v63  }
0x71: {  	v3 =	vld [tilespmem:$0x50];
	_ =	sdelay $0x4  }
0x72: {  	v37 =	vshll.u32 v3, $0x1  }
0x73: {  	v3 =	vand.u32 $0x7, v3;
	v4 =	vand.u32 $0xFFFFFFF0, v37  }
0x74: {  	v3 =	vor.u32 v3, v4  }
0x75: {  	v4 =	vperm.xlane v3, v0;
	_ =	sdelay $0x1  }
0x76: {  	v3 =	vperm.xlane v3, v2;
	v4 =	vadd.s32 v1, v4;
	_ =	sdelay $0x1  }
0x77: {  	v3 =	vadd.s32 v1, v3;
	_ =	sdelay $0x1  }
0x78: {  	s4 =	rddreg [dreg:$0xd]  }
0x79: {  	[tilespmem:s4], [sflag:$0x2] =	stream.indirect_vreg.gather [hbm4b:s2+s3], $0x80, v4, vm0, $0xb8;
	[tilespmem:$0x1C200] =	vst v63  }
0x7a: {  	s11 =	rddreg [dreg:$0xe]  }
0x7b: {  	[tilespmem:s11], [sflag:$0x2] =	stream.indirect_vreg.gather [hbm4b:s2+s3], $0x80, v3, vm0, $0xb8;
	[tilespmem:$0x1C200] =	vst v63  }
0x7c: {  	v3 =	vld [tilespmem:$0x60];
	_ =	sdelay $0x4  }
0x7d: {  	v38 =	vshll.u32 v3, $0x1  }
0x7e: {  	v3 =	vand.u32 $0x7, v3;
	v4 =	vand.u32 $0xFFFFFFF0, v38  }
0x7f: {  	v3 =	vor.u32 v3, v4  }
0x80: {  	v4 =	vperm.xlane v3, v0;
	_ =	sdelay $0x1  }
0x81: {  	v3 =	vperm.xlane v3, v2;
	v4 =	vadd.s32 v1, v4;
	_ =	sdelay $0x1  }
0x82: {  	v3 =	vadd.s32 v1, v3;
	_ =	sdelay $0x1  }
0x83: {  	s11 =	rddreg [dreg:$0xf]  }
0x84: {  	[tilespmem:s11], [sflag:$0x2] =	stream.indirect_vreg.gather [hbm4b:s2+s3], $0x80, v4, vm0, $0xb8;
	[tilespmem:$0x1C200] =	vst v63  }
0x85: {  	s4 =	rddreg [dreg:$0x10]  }
0x86: {  	[tilespmem:s4], [sflag:$0x2] =	stream.indirect_vreg.gather [hbm4b:s2+s3], $0x80, v3, vm0, $0xb8;
	[tilespmem:$0x1C200] =	vst v63  }
0x87: {  	v3 =	vld [tilespmem:$0x70];
	_ =	sdelay $0x4  }
0x88: {  	v39 =	vshll.u32 v3, $0x1  }
0x89: {  	v3 =	vand.u32 $0x7, v3;
	v4 =	vand.u32 $0xFFFFFFF0, v39  }
0x8a: {  	v3 =	vor.u32 v3, v4  }
0x8b: {  	v4 =	vperm.xlane v3, v0;
	_ =	sdelay $0x1  }
0x8c: {  	v3 =	vperm.xlane v3, v2;
	v4 =	vadd.s32 v1, v4;
	_ =	sdelay $0x1  }
0x8d: {  	v3 =	vadd.s32 v1, v3;
	_ =	sdelay $0x1  }
0x8e: {  	s11 =	rddreg [dreg:$0x11]  }
0x8f: {  	[tilespmem:s11], [sflag:$0x2] =	stream.indirect_vreg.gather [hbm4b:s2+s3], $0x80, v4, vm0, $0xb8;
	[tilespmem:$0x1C200] =	vst v63  }
0x90: {  	s4 =	rddreg [dreg:$0x12]  }
0x91: {  	[tilespmem:s4], [sflag:$0x2] =	stream.indirect_vreg.gather [hbm4b:s2+s3], $0x80, v3, vm0, $0xb8;
	[tilespmem:$0x1C200] =	vst v63  }
0x92: {  	v3 =	vld [tilespmem:$0x80];
	_ =	sdelay $0x4  }
0x93: {  	v40 =	vshll.u32 v3, $0x1  }
0x94: {  	v3 =	vand.u32 $0x7, v3;
	v4 =	vand.u32 $0xFFFFFFF0, v40  }
0x95: {  	v3 =	vor.u32 v3, v4  }
0x96: {  	v4 =	vperm.xlane v3, v0;
	_ =	sdelay $0x1  }
0x97: {  	v3 =	vperm.xlane v3, v2;
	v4 =	vadd.s32 v1, v4;
	_ =	sdelay $0x1  }
0x98: {  	v3 =	vadd.s32 v1, v3;
	_ =	sdelay $0x1  }
0x99: {  	s4 =	simm.s32 $0x8200  }
0x9a: {  	[tilespmem:s4], [sflag:$0x3] =	stream.indirect_vreg.gather [hbm4b:s2+s3], $0x80, v4, vm0, $0xb8;
	[tilespmem:$0x1C200] =	vst v63  }
0x9b: {  	s11 =	rddreg [dreg:$0x13]  }
0x9c: {  	[tilespmem:s11], [sflag:$0x3] =	stream.indirect_vreg.gather [hbm4b:s2+s3], $0x80, v3, vm0, $0xb8;
	[tilespmem:$0x1C200] =	vst v63  }
0x9d: {  	v3 =	vld [tilespmem:$0x90];
	_ =	sdelay $0x4  }
0x9e: {  	v41 =	vshll.u32 v3, $0x1  }
0x9f: {  	v3 =	vand.u32 $0x7, v3;
	v4 =	vand.u32 $0xFFFFFFF0, v41  }
0xa0: {  	v3 =	vor.u32 v3, v4  }
0xa1: {  	v4 =	vperm.xlane v3, v0;
	_ =	sdelay $0x1  }
0xa2: {  	v3 =	vperm.xlane v3, v2;
	v4 =	vadd.s32 v1, v4;
	_ =	sdelay $0x1  }
0xa3: {  	v3 =	vadd.s32 v1, v3;
	_ =	sdelay $0x1  }
0xa4: {  	s10 =	rddreg [dreg:$0x14]  }
0xa5: {  	[tilespmem:s10], [sflag:$0x3] =	stream.indirect_vreg.gather [hbm4b:s2+s3], $0x80, v4, vm0, $0xb8;
	[tilespmem:$0x1C200] =	vst v63  }
0xa6: {  	s11 =	rddreg [dreg:$0x15]  }
0xa7: {  	[tilespmem:s11], [sflag:$0x3] =	stream.indirect_vreg.gather [hbm4b:s2+s3], $0x80, v3, vm0, $0xb8;
	[tilespmem:$0x1C200] =	vst v63  }
0xa8: {  	v3 =	vld [tilespmem:$0xA0];
	_ =	sdelay $0x4  }
0xa9: {  	v42 =	vshll.u32 v3, $0x1  }
0xaa: {  	v3 =	vand.u32 $0x7, v3;
	v4 =	vand.u32 $0xFFFFFFF0, v42  }
0xab: {  	v3 =	vor.u32 v3, v4  }
0xac: {  	v4 =	vperm.xlane v3, v0;
	_ =	sdelay $0x1  }
0xad: {  	v3 =	vperm.xlane v3, v2;
	v4 =	vadd.s32 v1, v4;
	_ =	sdelay $0x1  }
0xae: {  	v3 =	vadd.s32 v1, v3;
	_ =	sdelay $0x1  }
0xaf: {  	s10 =	rddreg [dreg:$0x16]  }
0xb0: {  	[tilespmem:s10], [sflag:$0x3] =	stream.indirect_vreg.gather [hbm4b:s2+s3], $0x80, v4, vm0, $0xb8;
	[tilespmem:$0x1C200] =	vst v63  }
0xb1: {  	s11 =	rddreg [dreg:$0x17]  }
0xb2: {  	[tilespmem:s11], [sflag:$0x3] =	stream.indirect_vreg.gather [hbm4b:s2+s3], $0x80, v3, vm0, $0xb8;
	[tilespmem:$0x1C200] =	vst v63  }
0xb3: {  	v3 =	vld [tilespmem:$0xB0];
	_ =	sdelay $0x4  }
0xb4: {  	v43 =	vshll.u32 v3, $0x1  }
0xb5: {  	v3 =	vand.u32 $0x7, v3;
	v4 =	vand.u32 $0xFFFFFFF0, v43  }
0xb6: {  	v3 =	vor.u32 v3, v4  }
0xb7: {  	v4 =	vperm.xlane v3, v0;
	_ =	sdelay $0x1  }
0xb8: {  	v3 =	vperm.xlane v3, v2;
	v4 =	vadd.s32 v1, v4;
	_ =	sdelay $0x1  }
0xb9: {  	v3 =	vadd.s32 v1, v3;
	_ =	sdelay $0x1  }
0xba: {  	s10 =	rddreg [dreg:$0x18]  }
0xbb: {  	[tilespmem:s10], [sflag:$0x3] =	stream.indirect_vreg.gather [hbm4b:s2+s3], $0x80, v4, vm0, $0xb8;
	[tilespmem:$0x1C200] =	vst v63  }
0xbc: {  	s11 =	rddreg [dreg:$0x19]  }
0xbd: {  	[tilespmem:s11], [sflag:$0x3] =	stream.indirect_vreg.gather [hbm4b:s2+s3], $0x80, v3, vm0, $0xb8;
	[tilespmem:$0x1C200] =	vst v63  }
0xbe: {  	v3 =	vld [tilespmem:$0xC0];
	_ =	sdelay $0x4  }
0xbf: {  	v44 =	vshll.u32 v3, $0x1  }
0xc0: {  	v3 =	vand.u32 $0x7, v3;
	v4 =	vand.u32 $0xFFFFFFF0, v44  }
0xc1: {  	v3 =	vor.u32 v3, v4  }
0xc2: {  	v4 =	vperm.xlane v3, v0;
	_ =	sdelay $0x1  }
0xc3: {  	v3 =	vperm.xlane v3, v2;
	v4 =	vadd.s32 v1, v4;
	_ =	sdelay $0x1  }
0xc4: {  	v3 =	vadd.s32 v1, v3;
	_ =	sdelay $0x2  }
0xc5: {  	[tilespmem:s22], [sflag:$0x4] =	stream.indirect_vreg.gather [hbm4b:s2+s3], $0x80, v4, vm0, $0xb8;
	[tilespmem:$0x1C200] =	vst v63  }
0xc6: {  	s11 =	rddreg [dreg:$0x1a]  }
0xc7: {  	[tilespmem:s11], [sflag:$0x4] =	stream.indirect_vreg.gather [hbm4b:s2+s3], $0x80, v3, vm0, $0xb8;
	[tilespmem:$0x1C200] =	vst v63  }
0xc8: {  	v3 =	vld [tilespmem:$0xD0];
	_ =	sdelay $0x4  }
0xc9: {  	v45 =	vshll.u32 v3, $0x1  }
0xca: {  	v3 =	vand.u32 $0x7, v3;
	v4 =	vand.u32 $0xFFFFFFF0, v45  }
0xcb: {  	v3 =	vor.u32 v3, v4  }
0xcc: {  	v4 =	vperm.xlane v3, v0;
	_ =	sdelay $0x1  }
0xcd: {  	v3 =	vperm.xlane v3, v2;
	v4 =	vadd.s32 v1, v4;
	_ =	sdelay $0x1  }
0xce: {  	v3 =	vadd.s32 v1, v3;
	_ =	sdelay $0x1  }
0xcf: {  	s10 =	rddreg [dreg:$0x1b]  }
0xd0: {  	[tilespmem:s10], [sflag:$0x4] =	stream.indirect_vreg.gather [hbm4b:s2+s3], $0x80, v4, vm0, $0xb8;
	[tilespmem:$0x1C200] =	vst v63  }
0xd1: {  	s11 =	rddreg [dreg:$0x1c]  }
0xd2: {  	[tilespmem:s11], [sflag:$0x4] =	stream.indirect_vreg.gather [hbm4b:s2+s3], $0x80, v3, vm0, $0xb8;
	[tilespmem:$0x1C200] =	vst v63  }
0xd3: {  	v3 =	vld [tilespmem:$0xE0];
	_ =	sdelay $0x4  }
0xd4: {  	v46 =	vshll.u32 v3, $0x1  }
0xd5: {  	v3 =	vand.u32 $0x7, v3;
	v4 =	vand.u32 $0xFFFFFFF0, v46  }
0xd6: {  	v3 =	vor.u32 v3, v4  }
0xd7: {  	v4 =	vperm.xlane v3, v0;
	_ =	sdelay $0x1  }
0xd8: {  	v3 =	vperm.xlane v3, v2;
	v4 =	vadd.s32 v1, v4;
	_ =	sdelay $0x1  }
0xd9: {  	v3 =	vadd.s32 v1, v3;
	_ =	sdelay $0x1  }
0xda: {  	s10 =	rddreg [dreg:$0x1d]  }
0xdb: {  	[tilespmem:s10], [sflag:$0x4] =	stream.indirect_vreg.gather [hbm4b:s2+s3], $0x80, v4, vm0, $0xb8;
	[tilespmem:$0x1C200] =	vst v63  }
0xdc: {  	s11 =	rddreg [dreg:$0x1e]  }
0xdd: {  	[tilespmem:s11], [sflag:$0x4] =	stream.indirect_vreg.gather [hbm4b:s2+s3], $0x80, v3, vm0, $0xb8;
	[tilespmem:$0x1C200] =	vst v63  }
0xde: {  	v3 =	vld [tilespmem:$0xF0];
	_ =	sdelay $0x4  }
0xdf: {  	v47 =	vshll.u32 v3, $0x1  }
0xe0: {  	v3 =	vand.u32 $0x7, v3;
	v4 =	vand.u32 $0xFFFFFFF0, v47  }
0xe1: {  	v3 =	vor.u32 v3, v4  }
0xe2: {  	v4 =	vperm.xlane v3, v0;
	_ =	sdelay $0x1  }
0xe3: {  	v3 =	vperm.xlane v3, v2;
	v4 =	vadd.s32 v1, v4;
	_ =	sdelay $0x1  }
0xe4: {  	v3 =	vadd.s32 v1, v3  }
0xe5: {  	s10 =	rddreg [dreg:$0x1f]  }
0xe6: {  	s11 =	sld [smem:$0x7E8]  }
0xe7: {  	[tilespmem:s10], [sflag:$0x4] =	stream.indirect_vreg.gather [hbm4b:s2+s3], $0x80, v4, vm0, $0xb8;
	[tilespmem:$0x1C200] =	vst v63  }
0xe8: {  	_ = 	snop  }
0xe9: {  	[tilespmem:s11], [sflag:$0x4] =	stream.indirect_vreg.gather [hbm4b:s2+s3], $0x80, v3, vm0, $0xb8;
	[tilespmem:$0x1C200] =	vst v63  }
0xea: {  	v3 =	vld [tilespmem:$0x100];
	_ =	sdelay $0x4  }
0xeb: {  	v48 =	vshll.u32 v3, $0x1  }
0xec: {  	v3 =	vand.u32 $0x7, v3;
	v4 =	vand.u32 $0xFFFFFFF0, v48  }
0xed: {  	v3 =	vor.u32 v3, v4  }
0xee: {  	v4 =	vperm.xlane v3, v0;
	_ =	sdelay $0x1  }
0xef: {  	v3 =	vperm.xlane v3, v2;
	v4 =	vadd.s32 v1, v4;
	_ =	sdelay $0x1  }
0xf0: {  	v3 =	vadd.s32 v1, v3;
	_ =	sdelay $0x1  }
0xf1: {  	s11 =	sld [smem:$0x7E9]  }
0xf2: {  	[tilespmem:s6], [sflag:$0x5] =	stream.indirect_vreg.gather [hbm4b:s2+s3], $0x80, v4, vm0, $0xb8;
	[tilespmem:$0x1C200] =	vst v63  }
0xf3: {  	_ = 	snop  }
0xf4: {  	[tilespmem:s11], [sflag:$0x5] =	stream.indirect_vreg.gather [hbm4b:s2+s3], $0x80, v3, vm0, $0xb8;
	[tilespmem:$0x1C200] =	vst v63  }
0xf5: {  	v3 =	vld [tilespmem:$0x110];
	_ =	sdelay $0x4  }
0xf6: {  	v49 =	vshll.u32 v3, $0x1  }
0xf7: {  	v3 =	vand.u32 $0x7, v3;
	v4 =	vand.u32 $0xFFFFFFF0, v49  }
0xf8: {  	v3 =	vor.u32 v3, v4  }
0xf9: {  	v4 =	vperm.xlane v3, v0;
	_ =	sdelay $0x1  }
0xfa: {  	v3 =	vperm.xlane v3, v2;
	v4 =	vadd.s32 v1, v4;
	_ =	sdelay $0x1  }
0xfb: {  	s10 =	sld [smem:$0x7EA];
	v3 =	vadd.s32 v1, v3;
	_ =	sdelay $0x1  }
0xfc: {  	s11 =	sld [smem:$0x7EB]  }
0xfd: {  	[tilespmem:s10], [sflag:$0x5] =	stream.indirect_vreg.gather [hbm4b:s2+s3], $0x80, v4, vm0, $0xb8;
	[tilespmem:$0x1C200] =	vst v63  }
0xfe: {  	_ = 	snop  }
0xff: {  	[tilespmem:s11], [sflag:$0x5] =	stream.indirect_vreg.gather [hbm4b:s2+s3], $0x80, v3, vm0, $0xb8;
	[tilespmem:$0x1C200] =	vst v63  }
0x100: {  	v3 =	vld [tilespmem:$0x120];
	_ =	sdelay $0x4  }
0x101: {  	v50 =	vshll.u32 v3, $0x1  }
0x102: {  	v3 =	vand.u32 $0x7, v3;
	v4 =	vand.u32 $0xFFFFFFF0, v50  }
0x103: {  	v3 =	vor.u32 v3, v4  }
0x104: {  	v4 =	vperm.xlane v3, v0;
	_ =	sdelay $0x1  }
0x105: {  	v3 =	vperm.xlane v3, v2;
	v4 =	vadd.s32 v1, v4;
	_ =	sdelay $0x1  }
0x106: {  	s10 =	sld [smem:$0x7EC];
	v3 =	vadd.s32 v1, v3;
	_ =	sdelay $0x1  }
0x107: {  	s11 =	sld [smem:$0x7ED]  }
0x108: {  	[tilespmem:s10], [sflag:$0x5] =	stream.indirect_vreg.gather [hbm4b:s2+s3], $0x80, v4, vm0, $0xb8;
	[tilespmem:$0x1C200] =	vst v63  }
0x109: {  	_ = 	snop  }
0x10a: {  	[tilespmem:s11], [sflag:$0x5] =	stream.indirect_vreg.gather [hbm4b:s2+s3], $0x80, v3, vm0, $0xb8;
	[tilespmem:$0x1C200] =	vst v63  }
0x10b: {  	v3 =	vld [tilespmem:$0x130];
	_ =	sdelay $0x4  }
0x10c: {  	v51 =	vshll.u32 v3, $0x1  }
0x10d: {  	v3 =	vand.u32 $0x7, v3;
	v4 =	vand.u32 $0xFFFFFFF0, v51  }
0x10e: {  	v3 =	vor.u32 v3, v4  }
0x10f: {  	v4 =	vperm.xlane v3, v0;
	_ =	sdelay $0x1  }
0x110: {  	v3 =	vperm.xlane v3, v2;
	v4 =	vadd.s32 v1, v4;
	_ =	sdelay $0x1  }
0x111: {  	s10 =	sld [smem:$0x7EE];
	v3 =	vadd.s32 v1, v3;
	_ =	sdelay $0x1  }
0x112: {  	s11 =	sld [smem:$0x7EF]  }
0x113: {  	[tilespmem:s10], [sflag:$0x5] =	stream.indirect_vreg.gather [hbm4b:s2+s3], $0x80, v4, vm0, $0xb8;
	[tilespmem:$0x1C200] =	vst v63  }
0x114: {  	_ = 	snop  }
0x115: {  	[tilespmem:s11], [sflag:$0x5] =	stream.indirect_vreg.gather [hbm4b:s2+s3], $0x80, v3, vm0, $0xb8;
	[tilespmem:$0x1C200] =	vst v63  }
0x116: {  	_ =	swait.ge [sflag:s19], $0x4000  }
0x117: {  	s11 =	sld [smem:$0x7E7]  }
0x118: {  	[sflag:s19] =	ssyncset.done $0x0  }
0x119: {  	[sflag:s19] =	ssyncadd.s32 $0xFFFFC000  }
0x11a: {  	[hbm4b:s11+s3] =	stream.linear.scatter [tilespmem:s7], [sflag:$0x8], $0x4000, $0x38;
	[tilespmem:$0x1C200] =	vst v63  }
0x11b: {  	v3 =	vld [tilespmem:$0x140];
	_ =	sdelay $0x4  }
0x11c: {  	v52 =	vshll.u32 v3, $0x1  }
0x11d: {  	v3 =	vand.u32 $0x7, v3;
	v4 =	vand.u32 $0xFFFFFFF0, v52  }
0x11e: {  	v3 =	vor.u32 v3, v4  }
0x11f: {  	v4 =	vperm.xlane v3, v0;
	_ =	sdelay $0x1  }
0x120: {  	v3 =	vperm.xlane v3, v2;
	v4 =	vadd.s32 v1, v4;
	_ =	sdelay $0x1  }
0x121: {  	v3 =	vadd.s32 v1, v3;
	_ =	sdelay $0x1  }
0x122: {  	s11 =	sld [smem:$0x7F0]  }
0x123: {  	[tilespmem:s21], [sflag:$0x6] =	stream.indirect_vreg.gather [hbm4b:s2+s3], $0x80, v4, vm0, $0xb8;
	[tilespmem:$0x1C200] =	vst v63  }
0x124: {  	_ = 	snop  }
0x125: {  	[tilespmem:s11], [sflag:$0x6] =	stream.indirect_vreg.gather [hbm4b:s2+s3], $0x80, v3, vm0, $0xb8;
	[tilespmem:$0x1C200] =	vst v63  }
0x126: {  	v3 =	vld [tilespmem:$0x150];
	_ =	sdelay $0x4  }
0x127: {  	v53 =	vshll.u32 v3, $0x1  }
0x128: {  	v3 =	vand.u32 $0x7, v3;
	v4 =	vand.u32 $0xFFFFFFF0, v53  }
0x129: {  	v3 =	vor.u32 v3, v4  }
0x12a: {  	v4 =	vperm.xlane v3, v0;
	_ =	sdelay $0x1  }
0x12b: {  	v3 =	vperm.xlane v3, v2;
	v4 =	vadd.s32 v1, v4;
	_ =	sdelay $0x1  }
0x12c: {  	s10 =	sld [smem:$0x7F1];
	v3 =	vadd.s32 v1, v3;
	_ =	sdelay $0x1  }
0x12d: {  	s11 =	sld [smem:$0x7F2]  }
0x12e: {  	[tilespmem:s10], [sflag:$0x6] =	stream.indirect_vreg.gather [hbm4b:s2+s3], $0x80, v4, vm0, $0xb8;
	[tilespmem:$0x1C200] =	vst v63  }
0x12f: {  	_ = 	snop  }
0x130: {  	[tilespmem:s11], [sflag:$0x6] =	stream.indirect_vreg.gather [hbm4b:s2+s3], $0x80, v3, vm0, $0xb8;
	[tilespmem:$0x1C200] =	vst v63  }
0x131: {  	v3 =	vld [tilespmem:$0x160];
	_ =	sdelay $0x4  }
0x132: {  	v54 =	vshll.u32 v3, $0x1  }
0x133: {  	v3 =	vand.u32 $0x7, v3;
	v4 =	vand.u32 $0xFFFFFFF0, v54  }
0x134: {  	v3 =	vor.u32 v3, v4  }
0x135: {  	v4 =	vperm.xlane v3, v0;
	_ =	sdelay $0x1  }
0x136: {  	v3 =	vperm.xlane v3, v2;
	v4 =	vadd.s32 v1, v4;
	_ =	sdelay $0x1  }
0x137: {  	s10 =	sld [smem:$0x7F3];
	v3 =	vadd.s32 v1, v3;
	_ =	sdelay $0x1  }
0x138: {  	s11 =	sld [smem:$0x7F4]  }
0x139: {  	[tilespmem:s10], [sflag:$0x6] =	stream.indirect_vreg.gather [hbm4b:s2+s3], $0x80, v4, vm0, $0xb8;
	[tilespmem:$0x1C200] =	vst v63  }
0x13a: {  	_ = 	snop  }
0x13b: {  	[tilespmem:s11], [sflag:$0x6] =	stream.indirect_vreg.gather [hbm4b:s2+s3], $0x80, v3, vm0, $0xb8;
	[tilespmem:$0x1C200] =	vst v63  }
0x13c: {  	v3 =	vld [tilespmem:$0x170];
	_ =	sdelay $0x4  }
0x13d: {  	v55 =	vshll.u32 v3, $0x1  }
0x13e: {  	v3 =	vand.u32 $0x7, v3;
	v4 =	vand.u32 $0xFFFFFFF0, v55  }
0x13f: {  	v3 =	vor.u32 v3, v4  }
0x140: {  	v4 =	vperm.xlane v3, v0;
	_ =	sdelay $0x1  }
0x141: {  	v3 =	vperm.xlane v3, v2;
	v4 =	vadd.s32 v1, v4;
	_ =	sdelay $0x1  }
0x142: {  	s10 =	sld [smem:$0x7F5];
	v3 =	vadd.s32 v1, v3;
	_ =	sdelay $0x1  }
0x143: {  	s11 =	sld [smem:$0x7F6]  }
0x144: {  	[tilespmem:s10], [sflag:$0x6] =	stream.indirect_vreg.gather [hbm4b:s2+s3], $0x80, v4, vm0, $0xb8;
	[tilespmem:$0x1C200] =	vst v63  }
0x145: {  	_ = 	snop  }
0x146: {  	[tilespmem:s11], [sflag:$0x6] =	stream.indirect_vreg.gather [hbm4b:s2+s3], $0x80, v3, vm0, $0xb8;
	[tilespmem:$0x1C200] =	vst v63  }
0x147: {  	s11 =	simm.s32 $0x2  }
0x148: {  	_ =	swait.ge [sflag:s11], $0x4000  }
0x149: {  	[sflag:s11] =	ssyncset.done $0x0  }
0x14a: {  	s10 =	rddreg [dreg:$0x5];
	[sflag:s11] =	ssyncadd.s32 $0xFFFFC000  }
0x14b: {  	[hbm4b:s10+s3] =	stream.linear.scatter [tilespmem:s20], [sflag:$0x9], $0x4000, $0x38;
	[tilespmem:$0x1C200] =	vst v63  }
0x14c: {  	v3 =	vld [tilespmem:$0x180];
	_ =	sdelay $0x4  }
0x14d: {  	v56 =	vshll.u32 v3, $0x1  }
0x14e: {  	v3 =	vand.u32 $0x7, v3;
	v4 =	vand.u32 $0xFFFFFFF0, v56  }
0x14f: {  	v3 =	vor.u32 v3, v4  }
0x150: {  	v4 =	vperm.xlane v3, v0;
	_ =	sdelay $0x1  }
0x151: {  	v3 =	vperm.xlane v3, v2;
	v4 =	vadd.s32 v1, v4;
	_ =	sdelay $0x1  }
0x152: {  	v3 =	vadd.s32 v1, v3;
	_ =	sdelay $0x1  }
0x153: {  	s11 =	sld [smem:$0x7F7];
	s20 =	simm.s32 $0x18200  }
0x154: {  	[tilespmem:s20], [sflag:$0x7] =	stream.indirect_vreg.gather [hbm4b:s2+s3], $0x80, v4, vm0, $0xb8;
	[tilespmem:$0x1C200] =	vst v63  }
0x155: {  	_ = 	snop  }
0x156: {  	[tilespmem:s11], [sflag:$0x7] =	stream.indirect_vreg.gather [hbm4b:s2+s3], $0x80, v3, vm0, $0xb8;
	[tilespmem:$0x1C200] =	vst v63  }
0x157: {  	v3 =	vld [tilespmem:$0x190];
	_ =	sdelay $0x4  }
0x158: {  	v57 =	vshll.u32 v3, $0x1  }
0x159: {  	v3 =	vand.u32 $0x7, v3;
	v4 =	vand.u32 $0xFFFFFFF0, v57  }
0x15a: {  	v3 =	vor.u32 v3, v4  }
0x15b: {  	v4 =	vperm.xlane v3, v0;
	_ =	sdelay $0x1  }
0x15c: {  	v3 =	vperm.xlane v3, v2;
	v4 =	vadd.s32 v1, v4;
	_ =	sdelay $0x1  }
0x15d: {  	s10 =	sld [smem:$0x7F8];
	v3 =	vadd.s32 v1, v3;
	_ =	sdelay $0x1  }
0x15e: {  	s11 =	sld [smem:$0x7F9]  }
0x15f: {  	[tilespmem:s10], [sflag:$0x7] =	stream.indirect_vreg.gather [hbm4b:s2+s3], $0x80, v4, vm0, $0xb8;
	[tilespmem:$0x1C200] =	vst v63  }
0x160: {  	_ = 	snop  }
0x161: {  	[tilespmem:s11], [sflag:$0x7] =	stream.indirect_vreg.gather [hbm4b:s2+s3], $0x80, v3, vm0, $0xb8;
	[tilespmem:$0x1C200] =	vst v63  }
0x162: {  	v3 =	vld [tilespmem:$0x1A0];
	_ =	sdelay $0x4  }
0x163: {  	v58 =	vshll.u32 v3, $0x1  }
0x164: {  	v3 =	vand.u32 $0x7, v3;
	v4 =	vand.u32 $0xFFFFFFF0, v58  }
0x165: {  	v3 =	vor.u32 v3, v4  }
0x166: {  	v4 =	vperm.xlane v3, v0;
	_ =	sdelay $0x1  }
0x167: {  	v3 =	vperm.xlane v3, v2;
	v4 =	vadd.s32 v1, v4;
	_ =	sdelay $0x1  }
0x168: {  	s10 =	sld [smem:$0x7FA];
	v3 =	vadd.s32 v1, v3;
	_ =	sdelay $0x1  }
0x169: {  	s11 =	sld [smem:$0x7FB]  }
0x16a: {  	[tilespmem:s10], [sflag:$0x7] =	stream.indirect_vreg.gather [hbm4b:s2+s3], $0x80, v4, vm0, $0xb8;
	[tilespmem:$0x1C200] =	vst v63  }
0x16b: {  	_ = 	snop  }
0x16c: {  	[tilespmem:s11], [sflag:$0x7] =	stream.indirect_vreg.gather [hbm4b:s2+s3], $0x80, v3, vm0, $0xb8;
	[tilespmem:$0x1C200] =	vst v63  }
0x16d: {  	v3 =	vld [tilespmem:$0x1B0];
	_ =	sdelay $0x4  }
0x16e: {  	v59 =	vshll.u32 v3, $0x1  }
0x16f: {  	v3 =	vand.u32 $0x7, v3;
	v4 =	vand.u32 $0xFFFFFFF0, v59  }
0x170: {  	v3 =	vor.u32 v3, v4  }
0x171: {  	v4 =	vperm.xlane v3, v0;
	_ =	sdelay $0x1  }
0x172: {  	v3 =	vperm.xlane v3, v2;
	v4 =	vadd.s32 v1, v4;
	_ =	sdelay $0x1  }
0x173: {  	s10 =	sld [smem:$0x7FC];
	v3 =	vadd.s32 v1, v3;
	_ =	sdelay $0x1  }
0x174: {  	s11 =	sld [smem:$0x7FD]  }
0x175: {  	[tilespmem:s10], [sflag:$0x7] =	stream.indirect_vreg.gather [hbm4b:s2+s3], $0x80, v4, vm0, $0xb8;
	[tilespmem:$0x1C200] =	vst v63  }
0x176: {  	_ = 	snop  }
0x177: {  	[tilespmem:s11], [sflag:$0x7] =	stream.indirect_vreg.gather [hbm4b:s2+s3], $0x80, v3, vm0, $0xb8;
	[tilespmem:$0x1C200] =	vst v63  }
0x178: {  	_ =	swait.ge [sflag:s23], $0x4000  }
0x179: {  	[sflag:s23] =	ssyncset.done $0x0  }
0x17a: {  	s11 =	rddreg [dreg:$0x6];
	[sflag:s23] =	ssyncadd.s32 $0xFFFFC000  }
0x17b: {  	[hbm4b:s11+s3] =	stream.linear.scatter [tilespmem:s4], [sflag:$0xA], $0x4000, $0x38;
	[tilespmem:$0x1C200] =	vst v63  }
0x17c: {  	_ =	swait.ge [sflag:s24], $0x4000  }
0x17d: {  	[sflag:s24] =	ssyncset.done $0x0  }
0x17e: {  	[sflag:s24] =	ssyncadd.s32 $0xFFFFC000  }
0x17f: {  	v3 =	vld [tilespmem:$0x1C0];
	_ =	sdelay $0x4  }
0x180: {  	v60 =	vshll.u32 v3, $0x1  }
0x181: {  	v3 =	vand.u32 $0x7, v3;
	v4 =	vand.u32 $0xFFFFFFF0, v60  }
0x182: {  	v3 =	vor.u32 v3, v4  }
0x183: {  	v4 =	vperm.xlane v3, v0;
	_ =	sdelay $0x1  }
0x184: {  	v3 =	vperm.xlane v3, v2;
	v4 =	vadd.s32 v1, v4;
	_ =	sdelay $0x1  }
0x185: {  	v3 =	vadd.s32 v1, v3;
	_ =	sdelay $0x2  }
0x186: {  	[tilespmem:s7], [sflag:$0x1] =	stream.indirect_vreg.gather [hbm4b:s2+s3], $0x80, v4, vm0, $0xb8;
	[tilespmem:$0x1C200] =	vst v63  }
0x187: {  	_ = 	snop  }
0x188: {  	[tilespmem:s12], [sflag:$0x1] =	stream.indirect_vreg.gather [hbm4b:s2+s3], $0x80, v3, vm0, $0xb8;
	[tilespmem:$0x1C200] =	vst v63  }
0x189: {  	v3 =	vld [tilespmem:$0x1D0];
	_ =	sdelay $0x4  }
0x18a: {  	v61 =	vshll.u32 v3, $0x1  }
0x18b: {  	v3 =	vand.u32 $0x7, v3;
	v4 =	vand.u32 $0xFFFFFFF0, v61  }
0x18c: {  	v3 =	vor.u32 v3, v4  }
0x18d: {  	v4 =	vperm.xlane v3, v0;
	_ =	sdelay $0x1  }
0x18e: {  	v3 =	vperm.xlane v3, v2;
	v4 =	vadd.s32 v1, v4;
	_ =	sdelay $0x1  }
0x18f: {  	v3 =	vadd.s32 v1, v3;
	_ =	sdelay $0x2  }
0x190: {  	[tilespmem:s13], [sflag:$0x1] =	stream.indirect_vreg.gather [hbm4b:s2+s3], $0x80, v4, vm0, $0xb8;
	[tilespmem:$0x1C200] =	vst v63  }
0x191: {  	_ = 	snop  }
0x192: {  	[tilespmem:s14], [sflag:$0x1] =	stream.indirect_vreg.gather [hbm4b:s2+s3], $0x80, v3, vm0, $0xb8;
	[tilespmem:$0x1C200] =	vst v63  }
0x193: {  	v3 =	vld [tilespmem:$0x1E0];
	_ =	sdelay $0x4  }
0x194: {  	v62 =	vshll.u32 v3, $0x1  }
0x195: {  	v3 =	vand.u32 $0x7, v3;
	v4 =	vand.u32 $0xFFFFFFF0, v62  }
0x196: {  	v3 =	vor.u32 v3, v4  }
0x197: {  	v4 =	vperm.xlane v3, v0;
	_ =	sdelay $0x1  }
0x198: {  	v3 =	vperm.xlane v3, v2;
	v4 =	vadd.s32 v1, v4;
	_ =	sdelay $0x1  }
0x199: {  	v3 =	vadd.s32 v1, v3;
	_ =	sdelay $0x2  }
0x19a: {  	[tilespmem:s15], [sflag:$0x1] =	stream.indirect_vreg.gather [hbm4b:s2+s3], $0x80, v4, vm0, $0xb8;
	[tilespmem:$0x1C200] =	vst v63  }
0x19b: {  	_ = 	snop  }
0x19c: {  	[tilespmem:s16], [sflag:$0x1] =	stream.indirect_vreg.gather [hbm4b:s2+s3], $0x80, v3, vm0, $0xb8;
	[tilespmem:$0x1C200] =	vst v63  }
0x19d: {  	v3 =	vld [tilespmem:$0x1F0];
	_ =	sdelay $0x4  }
0x19e: {  	v63 =	vshll.u32 v3, $0x1  }
0x19f: {  	v3 =	vand.u32 $0x7, v3;
	v4 =	vand.u32 $0xFFFFFFF0, v63  }
0x1a0: {  	v3 =	vor.u32 v3, v4  }
0x1a1: {  	v4 =	vperm.xlane v3, v0;
	_ =	sdelay $0x1  }
0x1a2: {  	v3 =	vperm.xlane v3, v2;
	v4 =	vadd.s32 v1, v4;
	_ =	sdelay $0x1  }
0x1a3: {  	v3 =	vadd.s32 v1, v3;
	_ =	sdelay $0x2  }
0x1a4: {  	[tilespmem:s17], [sflag:$0x1] =	stream.indirect_vreg.gather [hbm4b:s2+s3], $0x80, v4, vm0, $0xb8;
	[tilespmem:$0x1C200] =	vst v63  }
0x1a5: {  	_ = 	snop  }
0x1a6: {  	[tilespmem:s18], [sflag:$0x1] =	stream.indirect_vreg.gather [hbm4b:s2+s3], $0x80, v3, vm0, $0xb8;
	[tilespmem:$0x1C200] =	vst v63  }
0x1a7: {  	_ =	swait.ge [sflag:s25], $0x4000  }
0x1a8: {  	[sflag:s25] =	ssyncset.done $0x0  }
0x1a9: {  	s4 =	rddreg [dreg:$0x7];
	[sflag:s25] =	ssyncadd.s32 $0xFFFFC000  }
0x1aa: {  	[hbm4b:s4+s3] =	stream.linear.scatter [tilespmem:s22], [sflag:$0xB], $0x4000, $0x38;
	[tilespmem:$0x1C200] =	vst v63  }
0x1ab: {  	_ =	swait.ge [sflag:s26], $0x4000  }
0x1ac: {  	[sflag:s26] =	ssyncset.done $0x0  }
0x1ad: {  	s11 =	rddreg [dreg:$0x8];
	[sflag:s26] =	ssyncadd.s32 $0xFFFFC000  }
0x1ae: {  	[hbm4b:s11+s3] =	stream.linear.scatter [tilespmem:s6], [sflag:$0xC], $0x4000, $0x38;
	[tilespmem:$0x1C200] =	vst v63  }
0x1af: {  	_ =	swait.ge [sflag:s28], $0x4000  }
0x1b0: {  	[sflag:s28] =	ssyncset.done $0x0  }
0x1b1: {  	s4 =	rddreg [dreg:$0x9];
	[sflag:s28] =	ssyncadd.s32 $0xFFFFC000  }
0x1b2: {  	[hbm4b:s4+s3] =	stream.linear.scatter [tilespmem:s21], [sflag:$0xD], $0x4000, $0x38;
	[tilespmem:$0x1C200] =	vst v63  }
0x1b3: {  	_ =	swait.ge [sflag:s29], $0x4000  }
0x1b4: {  	[sflag:s29] =	ssyncset.done $0x0  }
0x1b5: {  	s11 =	rddreg [dreg:$0xa];
	[sflag:s29] =	ssyncadd.s32 $0xFFFFC000  }
0x1b6: {  	[hbm4b:s11+s3] =	stream.linear.scatter [tilespmem:s20], [sflag:$0xE], $0x4000, $0x38;
	[tilespmem:$0x1C200] =	vst v63  }
0x1b7: {  	_ =	swait.ge [sflag:s19], $0x4000  }
0x1b8: {  	[sflag:s19] =	ssyncset.done $0x0  }
0x1b9: {  	s20 =	rddreg [dreg:$0xb];
	[sflag:s19] =	ssyncadd.s32 $0xFFFFC000  }
0x1ba: {  	[hbm4b:s20+s3] =	stream.linear.scatter [tilespmem:s7], [sflag:$0x8], $0x4000, $0x38;
	[tilespmem:$0x1C200] =	vst v63  }
0x1bb: {  	_ =	swait.ge [sflag:s30], $0x4000  }
0x1bc: {  	[sflag:s30] =	ssyncset.done $0x0  }
0x1bd: {  	[sflag:s30] =	ssyncadd.s32 $0xFFFFC000  }
0x1be: {  	_ =	swait.ge [sflag:s31], $0x4000  }
0x1bf: {  	[sflag:s31] =	ssyncset.done $0x0  }
0x1c0: {  	[sflag:s31] =	ssyncadd.s32 $0xFFFFC000  }
0x1c1: {  	_ =	swait.ge [sflag:s1], $0x4000  }
0x1c2: {  	[sflag:s1] =	ssyncset.done $0x0  }
0x1c3: {  	[sflag:s1] =	ssyncadd.s32 $0xFFFFC000  }
0x1c4: {  	_ =	swait.ge [sflag:s0], $0x4000  }
0x1c5: {  	[sflag:s0] =	ssyncset.done $0x0  }
0x1c6: {  	[sflag:s0] =	ssyncadd.s32 $0xFFFFC000  }
0x1c7: {  	_ =	swait.ge [sflag:s8], $0x4000  }
0x1c8: {  	[sflag:s8] =	ssyncset.done $0x0  }
0x1c9: {  	[sflag:s8] =	ssyncadd.s32 $0xFFFFC000  }
0x1ca: {  	p0 =	sne.s32 s5, $0x1;
	_ =	swait.ge [sflag:s9], $0x4000  }
.Ltmp0:
0x1cb: {  	[sflag:s9] =	ssyncset.done $0x0;
	(pc) =	sbr.rel @p0 .LBB2_1-.Ltmp0, $4  }
0x1cc: {  	[sflag:s9] =	ssyncadd.s32 $0xFFFFC000  }
0x1cd: {  	_ =	swait.ge [sflag:s24], $0x4000  }
0x1ce: {  	[sflag:s24] =	ssyncset.done $0x0  }
0x1cf: {  	s5 =	sadd.s32 $0xFFFFFFFF, s5;
	[sflag:s24] =	ssyncadd.s32 $0xFFFFC000  }
0x1d0: {  	_ =	sfence.sel $0x180000  }
0x1d1: {  	[bflag:$0x0] =	sbarrier.arrive $0xFFFF  }
0x1d2: {  	_ =	strace $0x90000047  }
0x1d3: {  	s0 =	stileid.u32;
	[bflag:$0x2] =	sbarrier.arrive $0xFFFF  }
0x1d4: {  	p0 =	sne.s32 s0, $0x0;
	s0 =	rddreg [dreg:$0x3]  }
0x1d5: {  	s0 =	sadd.s32 @!p0 $0x100000, s0  }
0x1d6: {  	[sflag:s0] =	ssyncadd.tile.s32 @!p0 $0x1;
	_ =	shalt  }
.Lfunc_end2:
_tile_overlayer_lowered:
.L_overlay_start_2:
0x1d7: {  	(tag) =	ssettag $0x2  }
0x1d8: {  	s0 =	rddreg [dreg:$0x0];
	s2 =	stileid.u32  }
0x1d9: {  	s1 =	rddreg [dreg:$0x1];
	p0 =	sne.s32 s2, $0x0  }
0x1da: {  	s3 =	rddreg [dreg:$0x2];
	[bflag:$0x3] =	sbarrier.arrive $0xFFFF;
	s2 =	simm.s32 @!p0 $0x1C0F  }
0x1db: {  	[timem:s3], [sflag:s2] =	dma.local @!p0 [hbm:s0], s1  }
0x1dc: {  	s0 =	simm.s32 @!p0 $0xF  }
0x1dd: {  	_ =	swait.ge @!p0 [sflag:s0], s1  }
0x1de: {  	s1 =	ssub.s32 @!p0 $0x0, s1;
	[sflag:s0] =	ssyncset.done @!p0 $0x0  }
0x1df: {  	[sflag:s0] =	ssyncadd.s32 @!p0 s1  }
0x1e0: {  	[bflag:$0x3] =	sbarrier.arrive $0xFFFF  }
0x1e1: {  	_ =	shalt  }

</sc_bundles>
